<compile_context>
chip_gen: v7x
topology: tpu7x:2x2x1
jax: 0.10.2.dev20260603
libtpu: 0.0.44.dev20260713+nightly
codegen_flags: <defaults>
</compile_context>

<pallas_src>
import functools

import jax
import jax.numpy as jnp
from jax import lax
from jax.experimental import pallas as pl
from jax.experimental.pallas import tpu as pltpu
from jax.experimental.pallas import tpu_sc as plsc

N_NODES = 10000
D_IN = 128
D_HID = 256
D_OUT = 128

NC = 2
NS = 16
NW = NC * NS
CHUNK = 64
NBUF = 4
ROWS_PER_SUB = 632
N_PAD = NS * ROWS_PER_SUB
IB = 8
L = 16


def _sc_segment_sum(x, col_flat, row_flat, nch0, nch1):
    mesh = plsc.VectorSubcoreMesh(core_axis_name="c", subcore_axis_name="s")
    zsum = jnp.zeros((N_PAD, D_IN), jnp.float32)
    e0 = nch0 * CHUNK
    e1 = nch1 * CHUNK

    @functools.partial(
        pl.kernel,
        out_type=(
            jax.ShapeDtypeStruct((NC, N_PAD, D_IN), jnp.float32),
            jax.ShapeDtypeStruct((NW, 1, N_PAD), jnp.float32),
        ),
        mesh=mesh,
        compiler_params=pltpu.CompilerParams(needs_layout_passes=False),
        scratch_types=(
            [pltpu.VMEM((CHUNK,), jnp.int32) for _ in range(NBUF)]
            + [pltpu.VMEM((CHUNK,), jnp.int32) for _ in range(NBUF)]
            + [pltpu.VMEM((CHUNK, D_IN), jnp.float32) for _ in range(NBUF)]
            + [
                pltpu.VMEM((N_PAD,), jnp.float32),
                pltpu.VMEM_SHARED((N_PAD, D_IN), jnp.float32),
            ]
            + [pltpu.SemaphoreType.DMA for _ in range(NBUF)]
        ),
    )
    def seg(x_hbm, col_hbm, row_hbm, zsum_hbm, psum_hbm, pcnt_hbm, *sc):
        colv = sc[0:NBUF]
        rowv = sc[NBUF:2 * NBUF]
        rows = sc[2 * NBUF:3 * NBUF]
        cntv = sc[3 * NBUF]
        ssum = sc[3 * NBUF + 1]
        sem = sc[3 * NBUF + 2:3 * NBUF + 2 + NBUF]
        c = lax.axis_index("c")
        s = lax.axis_index("s")
        t = c * NS + s

        @pl.when(s == 0)
        def _zero():
            pltpu.sync_copy(zsum_hbm, ssum)

        def zbody(k, carry):
            cntv[pl.ds(k * L, L)] = jnp.zeros((L,), jnp.float32)
            return carry

        lax.fori_loop(0, N_PAD // L, zbody, 0)
        plsc.subcore_barrier()

        ones = jnp.ones((L,), jnp.float32)

        def run_pipeline(base, nch):
            def start(j, b):
                off = pl.multiple_of(base + j * CHUNK, CHUNK)
                pltpu.sync_copy(col_hbm.at[pl.ds(off, CHUNK)], colv[b])
                pltpu.sync_copy(row_hbm.at[pl.ds(off, CHUNK)], rowv[b])
                pltpu.async_copy(x_hbm.at[colv[b]], rows[b], sem[b])

            def drain(b):
                pltpu.make_async_copy(x_hbm.at[pl.ds(0, CHUNK)], rows[b],
                                      sem[b]).wait()
                pltpu.sync_copy(rows[b], ssum.at[rowv[b]], add=True)
                for k in range(CHUNK // L):
                    iv = rowv[b][pl.ds(k * L, L)]
                    plsc.addupdate_scatter(cntv, [iv], ones)

            for b in range(NBUF):
                start(b, b)

            def group(p, carry):
                j0 = p * NBUF
                for b in range(NBUF):
                    drain(b)
                    start(j0 + b + NBUF, b)
                return carry

            lax.fori_loop(0, nch // NBUF - 1, group, 0)
            for b in range(NBUF):
                drain(b)

        @pl.when(c == 0)
        def _run0():
            run_pipeline(s * e0, nch0)

        @pl.when(c == 1)
        def _run1():
            run_pipeline(NS * e0 + s * e1, nch1)

        plsc.subcore_barrier()

        @pl.when(s == 0)
        def _out():
            pltpu.sync_copy(ssum, psum_hbm.at[c])

        pltpu.sync_copy(cntv, pcnt_hbm.at[t, 0])

    return seg(x, col_flat, row_flat, zsum)


CORE0_SHARE = 0.8


def _tc_mlp_body(x_ref, ps_ref, pc_ref, w1a_ref, w1b_ref, b1_ref,
                 w2_ref, b2_ref, o_ref):
    sums = ps_ref[0] + ps_ref[1]
    cnt = jnp.sum(pc_ref[...], axis=1, keepdims=True)
    mean = sums / jnp.maximum(cnt, 1.0)
    h = jnp.dot(x_ref[...], w1a_ref[...], preferred_element_type=jnp.float32)
    h += jnp.dot(mean, w1b_ref[...], preferred_element_type=jnp.float32)
    h = jnp.maximum(h + b1_ref[...], 0.0)
    o_ref[...] = (
        jnp.dot(h, w2_ref[...], preferred_element_type=jnp.float32)
        + b2_ref[...]
    )


def kernel(x, edge_index, W1, b1, W2, b2):
    E = edge_index.shape[1]
    unit = IB * CHUNK
    u_pair = -(-E // (NS * unit))
    u0 = max(2, min(u_pair - 2, round(CORE0_SHARE * u_pair)))
    u0 += u0 % 2
    u1 = u_pair - u0
    nch0, nch1 = u0 * IB, u1 * IB
    pad = NS * u_pair * unit - E

    row = edge_index[0].astype(jnp.int32)
    col = edge_index[1].astype(jnp.int32)
    col_flat = jnp.concatenate([col, jnp.zeros((pad,), jnp.int32)])
    row_flat = jnp.concatenate([row, jnp.full((pad,), N_NODES, jnp.int32)])

    psum, pcnt = _sc_segment_sum(x, col_flat, row_flat, nch0, nch1)

    n = x.shape[0]
    pcnt_t = pcnt.reshape(NW, N_PAD).T[:n, :]

    blk = 400
    grid = n // blk
    out = pl.pallas_call(
        _tc_mlp_body,
        grid=(grid,),
        in_specs=[
            pl.BlockSpec((blk, D_IN), lambda i: (i, 0)),
            pl.BlockSpec((NC, blk, D_IN), lambda i: (0, i, 0)),
            pl.BlockSpec((blk, NW), lambda i: (i, 0)),
            pl.BlockSpec((D_IN, D_HID), lambda i: (0, 0)),
            pl.BlockSpec((D_IN, D_HID), lambda i: (0, 0)),
            pl.BlockSpec((1, D_HID), lambda i: (0, 0)),
            pl.BlockSpec((D_HID, D_OUT), lambda i: (0, 0)),
            pl.BlockSpec((1, D_OUT), lambda i: (0, 0)),
        ],
        out_specs=pl.BlockSpec((blk, D_OUT), lambda i: (i, 0)),
        out_shape=jax.ShapeDtypeStruct((n, D_OUT), jnp.float32),
    )(
        x,
        psum[:, :n, :],
        pcnt_t,
        W1[:D_IN, :],
        W1[D_IN:, :],
        b1.reshape(1, D_HID),
        W2,
        b2.reshape(1, D_OUT),
    )
    return out

# --- scband reference (transcript-rebuilt; emitter-appended) ---
"""Pipeline reference for scband-graph-sageconv-2319282339967 (READ-ONLY COPY).

The authoritative reference and input builder live on the scoring server;
editing this copy changes nothing except your own understanding.
"""

import jax, jax.numpy as jnp
import numpy as np

N_NODES = 10000
N_EDGES = 320000
D_IN = 128
D_HID = 256
D_OUT = 128

def setup_inputs(seed: int = 0) -> dict:
    key = jax.random.key(seed)
    k_x, k_e, k_w1, k_b1, k_w2, k_b2 = jax.random.split(key, 6)
    x = jax.random.normal(k_x, (N_NODES, D_IN), dtype=jnp.float32)
    edge_index = jax.random.randint(k_e, (2, N_EDGES), 0, N_NODES, dtype=jnp.int64)
    # MLP params (torch Linear style: y = x @ W.T + b); store as [in, out] for direct matmul
    lim1 = 1.0 / np.sqrt(2 * D_IN)
    W1 = jax.random.uniform(k_w1, (2 * D_IN, D_HID), dtype=jnp.float32, minval=-lim1, maxval=lim1)
    b1 = jax.random.uniform(k_b1, (D_HID,), dtype=jnp.float32, minval=-lim1, maxval=lim1)
    lim2 = 1.0 / np.sqrt(D_HID)
    W2 = jax.random.uniform(k_w2, (D_HID, D_OUT), dtype=jnp.float32, minval=-lim2, maxval=lim2)
    b2 = jax.random.uniform(k_b2, (D_OUT,), dtype=jnp.float32, minval=-lim2, maxval=lim2)
    return {"x": x, "edge_index": edge_index, "W1": W1, "b1": b1, "W2": W2, "b2": b2}

def reference(x, edge_index, W1, b1, W2, b2):
    row = edge_index[0]
    col = edge_index[1]
    # scatter_mean(x[col], row, dim=0, dim_size=N)
    gathered = jnp.take(x, col, axis=0)                      # gather [E, D_IN]
    sums = jnp.zeros((x.shape[0], x.shape[1]), dtype=x.dtype).at[row].add(gathered)
    counts = jnp.zeros((x.shape[0],), dtype=x.dtype).at[row].add(1.0)
    neighbor_mean = sums / jnp.clip(counts, 1.0, None)[:, None]
    # MLPAggregator
    concat_features = jnp.concatenate([x, neighbor_mean], axis=1)
    h = jnp.maximum(concat_features @ W1 + b1, 0.0)
    out = h @ W2 + b2
    return out

if __name__ == "__main__":
    import jax
    _d = setup_inputs()
    print(jax.jit(kernel)(*tuple(_d.values())))

</pallas_src>

<mosaic_0001>
#map = affine_map<(d0, d1) -> (0, 0)>
#map1 = affine_map<(d0, d1) -> (0)>
#map2 = affine_map<(d0, d1) -> (0, 0, 0)>
module attributes {stable_mosaic.version = 14 : i64} {
  func.func @seg(%arg0: i32, %arg1: i32, %arg2: memref<10000x128xf32, #tpu.memory_space<hbm>>, %arg3: memref<327680xi32, #tpu.memory_space<hbm>>, %arg4: memref<327680xi32, #tpu.memory_space<hbm>>, %arg5: memref<10112x128xf32, #tpu.memory_space<hbm>>, %arg6: memref<2x10112x128xf32, #tpu.memory_space<hbm>>, %arg7: memref<32x1x10112xf32, #tpu.memory_space<hbm>>, %arg8: memref<64xi32, #tpu.memory_space<vmem>>, %arg9: memref<64xi32, #tpu.memory_space<vmem>>, %arg10: memref<64xi32, #tpu.memory_space<vmem>>, %arg11: memref<64xi32, #tpu.memory_space<vmem>>, %arg12: memref<64xi32, #tpu.memory_space<vmem>>, %arg13: memref<64xi32, #tpu.memory_space<vmem>>, %arg14: memref<64xi32, #tpu.memory_space<vmem>>, %arg15: memref<64xi32, #tpu.memory_space<vmem>>, %arg16: memref<64x128xf32, #tpu.memory_space<vmem>>, %arg17: memref<64x128xf32, #tpu.memory_space<vmem>>, %arg18: memref<64x128xf32, #tpu.memory_space<vmem>>, %arg19: memref<64x128xf32, #tpu.memory_space<vmem>>, %arg20: memref<10112xf32, #tpu.memory_space<vmem>>, %arg21: memref<10112x128xf32, #tpu.memory_space<vmem_shared>>, %arg22: memref<!tpu.dma_semaphore, #tpu.memory_space<semaphore_mem>>, %arg23: memref<!tpu.dma_semaphore, #tpu.memory_space<semaphore_mem>>, %arg24: memref<!tpu.dma_semaphore, #tpu.memory_space<semaphore_mem>>, %arg25: memref<!tpu.dma_semaphore, #tpu.memory_space<semaphore_mem>>) attributes {dimension_semantics = [#tpu.dimension_semantics<core_parallel>, #tpu.dimension_semantics<subcore_parallel>], iteration_bounds = array<i64: 2, 16>, scalar_prefetch = 0 : i64, scratch_operands = 18 : i64, tpu.core_type = #tpu.core_type<sc_vector_subcore>, window_params = [{transform_indices = #map}, {transform_indices = #map1}, {transform_indices = #map1}, {transform_indices = #map}, {transform_indices = #map2}, {transform_indices = #map2}]} {
    %mul3A = arith.constant 16 : i32
    %mul3A_0 = arith.muli %arg0, %mul3A : i32
    %add3A = arith.addi %mul3A_0, %arg1 : i32
    %eq3A = arith.constant 0 : i32
    %eq3A_1 = arith.cmpi eq, %arg1, %eq3A : i32
    %convert_element_type3A = arith.extui %eq3A_1 : i1 to i32
    %cond3A = arith.constant 0 : i32
    %cond3A_2 = arith.cmpi ne, %convert_element_type3A, %cond3A : i32
    scf.if %cond3A_2 {
      "tpu.region"() ({
        %run_scoped3A_25 = tpu.sem_alloc : memref<!tpu.dma_semaphore, #tpu.memory_space<semaphore_mem>>
        tpu.enqueue_dma source(%arg5 : memref<10112x128xf32, #tpu.memory_space<hbm>>) target(%arg21 : memref<10112x128xf32, #tpu.memory_space<vmem_shared>>) target_semaphore(%run_scoped3A_25 : memref<!tpu.dma_semaphore, #tpu.memory_space<semaphore_mem>>)
        tpu.wait_dma2 semaphore(%run_scoped3A_25 : memref<!tpu.dma_semaphore, #tpu.memory_space<semaphore_mem>>) src(%arg5 : memref<10112x128xf32, #tpu.memory_space<hbm>>) dst(%arg21 : memref<10112x128xf32, #tpu.memory_space<vmem_shared>>)
        tpu.yield
      }) : () -> ()
    } else {
    }
    %scan3A = arith.constant 0 : i32
    %scan3A_3 = arith.constant 0 : i32
    %scan3A_4 = arith.constant 632 : i32
    %scan3A_5 = arith.addi %scan3A_3, %scan3A_4 : i32
    %scan3A_6 = arith.constant 1 : i32
    scf.for %scan3A_25 = %scan3A_3 to %scan3A_5 step %scan3A_6  : i32 {
      %broadcast_in_dim3A_26 = arith.constant 0.000000e+00 : f32
      %broadcast_in_dim3A_27 = vector.broadcast %broadcast_in_dim3A_26 : f32 to vector<16xf32>
      %mul3A_28 = arith.constant 16 : i32
      %mul3A_29 = arith.muli %scan3A_25, %mul3A_28 : i32
      %swap3A = arith.index_cast %mul3A_29 : i32 to index
      %swap3A_30 = tpu.vector_load %arg20[%swap3A] {strides = array<i32>} : memref<10112xf32, #tpu.memory_space<vmem>>, vector<16xf32>,
      tpu.vector_store %arg20[%swap3A], %broadcast_in_dim3A_27 {strides = array<i32>} : memref<10112xf32, #tpu.memory_space<vmem>>, vector<16xf32>,
    }
    %scan3A_7 = arith.constant 632 : i32
    %barrier3A = arith.constant 0 : index
    tpu.barrier barrier_id(%barrier3A)
    %broadcast_in_dim3A = arith.constant 1.000000e+00 : f32
    %broadcast_in_dim3A_8 = vector.broadcast %broadcast_in_dim3A : f32 to vector<16xf32>
    %eq3A_9 = arith.constant 0 : i32
    %eq3A_10 = arith.cmpi eq, %arg0, %eq3A_9 : i32
    %convert_element_type3A_11 = arith.extui %eq3A_10 : i1 to i32
    %cond3A_12 = arith.constant 0 : i32
    %cond3A_13 = arith.cmpi ne, %convert_element_type3A_11, %cond3A_12 : i32
    scf.if %cond3A_13 {
      %mul3A_25 = arith.constant 16384 : i32
      %mul3A_26 = arith.muli %arg1, %mul3A_25 : i32
      %add3A_27 = arith.constant 0 : i32
      %add3A_28 = arith.addi %mul3A_26, %add3A_27 : i32
      %multiple_of3A = tpu.assume_multiple %add3A_28, 64 : i32
      "tpu.region"() ({
        %run_scoped3A_109 = tpu.sem_alloc : memref<!tpu.dma_semaphore, #tpu.memory_space<semaphore_mem>>
        %dma_start3A_110 = tpu.memref_slice %arg3[%multiple_of3A] : memref<327680xi32, #tpu.memory_space<hbm>> -> memref<64xi32, #tpu.memory_space<hbm>>
        %dma_start3A_111 = tpu.memref_slice %arg3[%multiple_of3A] : memref<327680xi32, #tpu.memory_space<hbm>> -> memref<64xi32, #tpu.memory_space<hbm>>
        tpu.enqueue_dma source(%dma_start3A_111 : memref<64xi32, #tpu.memory_space<hbm>>) target(%arg8 : memref<64xi32, #tpu.memory_space<vmem>>) target_semaphore(%run_scoped3A_109 : memref<!tpu.dma_semaphore, #tpu.memory_space<semaphore_mem>>)
        %dma_wait3A_112 = tpu.memref_slice %arg3[%multiple_of3A] : memref<327680xi32, #tpu.memory_space<hbm>> -> memref<64xi32, #tpu.memory_space<hbm>>
        %dma_wait3A_113 = tpu.memref_slice %arg3[%multiple_of3A] : memref<327680xi32, #tpu.memory_space<hbm>> -> memref<64xi32, #tpu.memory_space<hbm>>
        tpu.wait_dma2 semaphore(%run_scoped3A_109 : memref<!tpu.dma_semaphore, #tpu.memory_space<semaphore_mem>>) src(%dma_wait3A_113 : memref<64xi32, #tpu.memory_space<hbm>>) dst(%arg8 : memref<64xi32, #tpu.memory_space<vmem>>)
        tpu.yield
      }) : () -> ()
      "tpu.region"() ({
        %run_scoped3A_109 = tpu.sem_alloc : memref<!tpu.dma_semaphore, #tpu.memory_space<semaphore_mem>>
        %dma_start3A_110 = tpu.memref_slice %arg4[%multiple_of3A] : memref<327680xi32, #tpu.memory_space<hbm>> -> memref<64xi32, #tpu.memory_space<hbm>>
        %dma_start3A_111 = tpu.memref_slice %arg4[%multiple_of3A] : memref<327680xi32, #tpu.memory_space<hbm>> -> memref<64xi32, #tpu.memory_space<hbm>>
        tpu.enqueue_dma source(%dma_start3A_111 : memref<64xi32, #tpu.memory_space<hbm>>) target(%arg12 : memref<64xi32, #tpu.memory_space<vmem>>) target_semaphore(%run_scoped3A_109 : memref<!tpu.dma_semaphore, #tpu.memory_space<semaphore_mem>>)
        %dma_wait3A_112 = tpu.memref_slice %arg4[%multiple_of3A] : memref<327680xi32, #tpu.memory_space<hbm>> -> memref<64xi32, #tpu.memory_space<hbm>>
        %dma_wait3A_113 = tpu.memref_slice %arg4[%multiple_of3A] : memref<327680xi32, #tpu.memory_space<hbm>> -> memref<64xi32, #tpu.memory_space<hbm>>
        tpu.wait_dma2 semaphore(%run_scoped3A_109 : memref<!tpu.dma_semaphore, #tpu.memory_space<semaphore_mem>>) src(%dma_wait3A_113 : memref<64xi32, #tpu.memory_space<hbm>>) dst(%arg12 : memref<64xi32, #tpu.memory_space<vmem>>)
        tpu.yield
      }) : () -> ()
      %dma_start3A = arith.constant 0 : i32
      %dma_start3A_29 = arith.constant 0 : i32
      %dma_start3A_30 = tpu.memref_slice %arg2[%dma_start3A, %dma_start3A_29] : memref<10000x128xf32, #tpu.memory_space<hbm>> -> memref<10000x128xf32, #tpu.memory_space<hbm>>
      tpu.enqueue_indirect_dma source(%dma_start3A_30 : memref<10000x128xf32, #tpu.memory_space<hbm>>) target(%arg16 : memref<64x128xf32, #tpu.memory_space<vmem>>) offsets(%arg8 : memref<64xi32, #tpu.memory_space<vmem>>) semaphore(%arg22 : memref<!tpu.dma_semaphore, #tpu.memory_space<semaphore_mem>>)
      %add3A_31 = arith.constant 64 : i32
      %add3A_32 = arith.addi %mul3A_26, %add3A_31 : i32
      %multiple_of3A_33 = tpu.assume_multiple %add3A_32, 64 : i32
      "tpu.region"() ({
        %run_scoped3A_109 = tpu.sem_alloc : memref<!tpu.dma_semaphore, #tpu.memory_space<semaphore_mem>>
        %dma_start3A_110 = tpu.memref_slice %arg3[%multiple_of3A_33] : memref<327680xi32, #tpu.memory_space<hbm>> -> memref<64xi32, #tpu.memory_space<hbm>>
        %dma_start3A_111 = tpu.memref_slice %arg3[%multiple_of3A_33] : memref<327680xi32, #tpu.memory_space<hbm>> -> memref<64xi32, #tpu.memory_space<hbm>>
        tpu.enqueue_dma source(%dma_start3A_111 : memref<64xi32, #tpu.memory_space<hbm>>) target(%arg9 : memref<64xi32, #tpu.memory_space<vmem>>) target_semaphore(%run_scoped3A_109 : memref<!tpu.dma_semaphore, #tpu.memory_space<semaphore_mem>>)
        %dma_wait3A_112 = tpu.memref_slice %arg3[%multiple_of3A_33] : memref<327680xi32, #tpu.memory_space<hbm>> -> memref<64xi32, #tpu.memory_space<hbm>>
        %dma_wait3A_113 = tpu.memref_slice %arg3[%multiple_of3A_33] : memref<327680xi32, #tpu.memory_space<hbm>> -> memref<64xi32, #tpu.memory_space<hbm>>
        tpu.wait_dma2 semaphore(%run_scoped3A_109 : memref<!tpu.dma_semaphore, #tpu.memory_space<semaphore_mem>>) src(%dma_wait3A_113 : memref<64xi32, #tpu.memory_space<hbm>>) dst(%arg9 : memref<64xi32, #tpu.memory_space<vmem>>)
        tpu.yield
      }) : () -> ()
      "tpu.region"() ({
        %run_scoped3A_109 = tpu.sem_alloc : memref<!tpu.dma_semaphore, #tpu.memory_space<semaphore_mem>>
        %dma_start3A_110 = tpu.memref_slice %arg4[%multiple_of3A_33] : memref<327680xi32, #tpu.memory_space<hbm>> -> memref<64xi32, #tpu.memory_space<hbm>>
        %dma_start3A_111 = tpu.memref_slice %arg4[%multiple_of3A_33] : memref<327680xi32, #tpu.memory_space<hbm>> -> memref<64xi32, #tpu.memory_space<hbm>>
        tpu.enqueue_dma source(%dma_start3A_111 : memref<64xi32, #tpu.memory_space<hbm>>) target(%arg13 : memref<64xi32, #tpu.memory_space<vmem>>) target_semaphore(%run_scoped3A_109 : memref<!tpu.dma_semaphore, #tpu.memory_space<semaphore_mem>>)
        %dma_wait3A_112 = tpu.memref_slice %arg4[%multiple_of3A_33] : memref<327680xi32, #tpu.memory_space<hbm>> -> memref<64xi32, #tpu.memory_space<hbm>>
        %dma_wait3A_113 = tpu.memref_slice %arg4[%multiple_of3A_33] : memref<327680xi32, #tpu.memory_space<hbm>> -> memref<64xi32, #tpu.memory_space<hbm>>
        tpu.wait_dma2 semaphore(%run_scoped3A_109 : memref<!tpu.dma_semaphore, #tpu.memory_space<semaphore_mem>>) src(%dma_wait3A_113 : memref<64xi32, #tpu.memory_space<hbm>>) dst(%arg13 : memref<64xi32, #tpu.memory_space<vmem>>)
        tpu.yield
      }) : () -> ()
      %dma_start3A_34 = arith.constant 0 : i32
      %dma_start3A_35 = arith.constant 0 : i32
      %dma_start3A_36 = tpu.memref_slice %arg2[%dma_start3A_34, %dma_start3A_35] : memref<10000x128xf32, #tpu.memory_space<hbm>> -> memref<10000x128xf32, #tpu.memory_space<hbm>>
      tpu.enqueue_indirect_dma source(%dma_start3A_36 : memref<10000x128xf32, #tpu.memory_space<hbm>>) target(%arg17 : memref<64x128xf32, #tpu.memory_space<vmem>>) offsets(%arg9 : memref<64xi32, #tpu.memory_space<vmem>>) semaphore(%arg23 : memref<!tpu.dma_semaphore, #tpu.memory_space<semaphore_mem>>)
      %add3A_37 = arith.constant 128 : i32
      %add3A_38 = arith.addi %mul3A_26, %add3A_37 : i32
      %multiple_of3A_39 = tpu.assume_multiple %add3A_38, 64 : i32
      "tpu.region"() ({
        %run_scoped3A_109 = tpu.sem_alloc : memref<!tpu.dma_semaphore, #tpu.memory_space<semaphore_mem>>
        %dma_start3A_110 = tpu.memref_slice %arg3[%multiple_of3A_39] : memref<327680xi32, #tpu.memory_space<hbm>> -> memref<64xi32, #tpu.memory_space<hbm>>
        %dma_start3A_111 = tpu.memref_slice %arg3[%multiple_of3A_39] : memref<327680xi32, #tpu.memory_space<hbm>> -> memref<64xi32, #tpu.memory_space<hbm>>
        tpu.enqueue_dma source(%dma_start3A_111 : memref<64xi32, #tpu.memory_space<hbm>>) target(%arg10 : memref<64xi32, #tpu.memory_space<vmem>>) target_semaphore(%run_scoped3A_109 : memref<!tpu.dma_semaphore, #tpu.memory_space<semaphore_mem>>)
        %dma_wait3A_112 = tpu.memref_slice %arg3[%multiple_of3A_39] : memref<327680xi32, #tpu.memory_space<hbm>> -> memref<64xi32, #tpu.memory_space<hbm>>
        %dma_wait3A_113 = tpu.memref_slice %arg3[%multiple_of3A_39] : memref<327680xi32, #tpu.memory_space<hbm>> -> memref<64xi32, #tpu.memory_space<hbm>>
        tpu.wait_dma2 semaphore(%run_scoped3A_109 : memref<!tpu.dma_semaphore, #tpu.memory_space<semaphore_mem>>) src(%dma_wait3A_113 : memref<64xi32, #tpu.memory_space<hbm>>) dst(%arg10 : memref<64xi32, #tpu.memory_space<vmem>>)
        tpu.yield
      }) : () -> ()
      "tpu.region"() ({
        %run_scoped3A_109 = tpu.sem_alloc : memref<!tpu.dma_semaphore, #tpu.memory_space<semaphore_mem>>
        %dma_start3A_110 = tpu.memref_slice %arg4[%multiple_of3A_39] : memref<327680xi32, #tpu.memory_space<hbm>> -> memref<64xi32, #tpu.memory_space<hbm>>
        %dma_start3A_111 = tpu.memref_slice %arg4[%multiple_of3A_39] : memref<327680xi32, #tpu.memory_space<hbm>> -> memref<64xi32, #tpu.memory_space<hbm>>
        tpu.enqueue_dma source(%dma_start3A_111 : memref<64xi32, #tpu.memory_space<hbm>>) target(%arg14 : memref<64xi32, #tpu.memory_space<vmem>>) target_semaphore(%run_scoped3A_109 : memref<!tpu.dma_semaphore, #tpu.memory_space<semaphore_mem>>)
        %dma_wait3A_112 = tpu.memref_slice %arg4[%multiple_of3A_39] : memref<327680xi32, #tpu.memory_space<hbm>> -> memref<64xi32, #tpu.memory_space<hbm>>
        %dma_wait3A_113 = tpu.memref_slice %arg4[%multiple_of3A_39] : memref<327680xi32, #tpu.memory_space<hbm>> -> memref<64xi32, #tpu.memory_space<hbm>>
        tpu.wait_dma2 semaphore(%run_scoped3A_109 : memref<!tpu.dma_semaphore, #tpu.memory_space<semaphore_mem>>) src(%dma_wait3A_113 : memref<64xi32, #tpu.memory_space<hbm>>) dst(%arg14 : memref<64xi32, #tpu.memory_space<vmem>>)
        tpu.yield
      }) : () -> ()
      %dma_start3A_40 = arith.constant 0 : i32
      %dma_start3A_41 = arith.constant 0 : i32
      %dma_start3A_42 = tpu.memref_slice %arg2[%dma_start3A_40, %dma_start3A_41] : memref<10000x128xf32, #tpu.memory_space<hbm>> -> memref<10000x128xf32, #tpu.memory_space<hbm>>
      tpu.enqueue_indirect_dma source(%dma_start3A_42 : memref<10000x128xf32, #tpu.memory_space<hbm>>) target(%arg18 : memref<64x128xf32, #tpu.memory_space<vmem>>) offsets(%arg10 : memref<64xi32, #tpu.memory_space<vmem>>) semaphore(%arg24 : memref<!tpu.dma_semaphore, #tpu.memory_space<semaphore_mem>>)
      %add3A_43 = arith.constant 192 : i32
      %add3A_44 = arith.addi %mul3A_26, %add3A_43 : i32
      %multiple_of3A_45 = tpu.assume_multiple %add3A_44, 64 : i32
      "tpu.region"() ({
        %run_scoped3A_109 = tpu.sem_alloc : memref<!tpu.dma_semaphore, #tpu.memory_space<semaphore_mem>>
        %dma_start3A_110 = tpu.memref_slice %arg3[%multiple_of3A_45] : memref<327680xi32, #tpu.memory_space<hbm>> -> memref<64xi32, #tpu.memory_space<hbm>>
        %dma_start3A_111 = tpu.memref_slice %arg3[%multiple_of3A_45] : memref<327680xi32, #tpu.memory_space<hbm>> -> memref<64xi32, #tpu.memory_space<hbm>>
        tpu.enqueue_dma source(%dma_start3A_111 : memref<64xi32, #tpu.memory_space<hbm>>) target(%arg11 : memref<64xi32, #tpu.memory_space<vmem>>) target_semaphore(%run_scoped3A_109 : memref<!tpu.dma_semaphore, #tpu.memory_space<semaphore_mem>>)
        %dma_wait3A_112 = tpu.memref_slice %arg3[%multiple_of3A_45] : memref<327680xi32, #tpu.memory_space<hbm>> -> memref<64xi32, #tpu.memory_space<hbm>>
        %dma_wait3A_113 = tpu.memref_slice %arg3[%multiple_of3A_45] : memref<327680xi32, #tpu.memory_space<hbm>> -> memref<64xi32, #tpu.memory_space<hbm>>
        tpu.wait_dma2 semaphore(%run_scoped3A_109 : memref<!tpu.dma_semaphore, #tpu.memory_space<semaphore_mem>>) src(%dma_wait3A_113 : memref<64xi32, #tpu.memory_space<hbm>>) dst(%arg11 : memref<64xi32, #tpu.memory_space<vmem>>)
        tpu.yield
      }) : () -> ()
      "tpu.region"() ({
        %run_scoped3A_109 = tpu.sem_alloc : memref<!tpu.dma_semaphore, #tpu.memory_space<semaphore_mem>>
        %dma_start3A_110 = tpu.memref_slice %arg4[%multiple_of3A_45] : memref<327680xi32, #tpu.memory_space<hbm>> -> memref<64xi32, #tpu.memory_space<hbm>>
        %dma_start3A_111 = tpu.memref_slice %arg4[%multiple_of3A_45] : memref<327680xi32, #tpu.memory_space<hbm>> -> memref<64xi32, #tpu.memory_space<hbm>>
        tpu.enqueue_dma source(%dma_start3A_111 : memref<64xi32, #tpu.memory_space<hbm>>) target(%arg15 : memref<64xi32, #tpu.memory_space<vmem>>) target_semaphore(%run_scoped3A_109 : memref<!tpu.dma_semaphore, #tpu.memory_space<semaphore_mem>>)
        %dma_wait3A_112 = tpu.memref_slice %arg4[%multiple_of3A_45] : memref<327680xi32, #tpu.memory_space<hbm>> -> memref<64xi32, #tpu.memory_space<hbm>>
        %dma_wait3A_113 = tpu.memref_slice %arg4[%multiple_of3A_45] : memref<327680xi32, #tpu.memory_space<hbm>> -> memref<64xi32, #tpu.memory_space<hbm>>
        tpu.wait_dma2 semaphore(%run_scoped3A_109 : memref<!tpu.dma_semaphore, #tpu.memory_space<semaphore_mem>>) src(%dma_wait3A_113 : memref<64xi32, #tpu.memory_space<hbm>>) dst(%arg15 : memref<64xi32, #tpu.memory_space<vmem>>)
        tpu.yield
      }) : () -> ()
      %dma_start3A_46 = arith.constant 0 : i32
      %dma_start3A_47 = arith.constant 0 : i32
      %dma_start3A_48 = tpu.memref_slice %arg2[%dma_start3A_46, %dma_start3A_47] : memref<10000x128xf32, #tpu.memory_space<hbm>> -> memref<10000x128xf32, #tpu.memory_space<hbm>>
      tpu.enqueue_indirect_dma source(%dma_start3A_48 : memref<10000x128xf32, #tpu.memory_space<hbm>>) target(%arg19 : memref<64x128xf32, #tpu.memory_space<vmem>>) offsets(%arg11 : memref<64xi32, #tpu.memory_space<vmem>>) semaphore(%arg25 : memref<!tpu.dma_semaphore, #tpu.memory_space<semaphore_mem>>)
      %scan3A_49 = arith.constant 0 : i32
      %scan3A_50 = arith.constant 0 : i32
      %scan3A_51 = arith.constant 63 : i32
      %scan3A_52 = arith.addi %scan3A_50, %scan3A_51 : i32
      %scan3A_53 = arith.constant 1 : i32
      scf.for %scan3A_109 = %scan3A_50 to %scan3A_52 step %scan3A_53  : i32 {
        %mul3A_110 = arith.constant 4 : i32
        %mul3A_111 = arith.muli %scan3A_109, %mul3A_110 : i32
        %dma_wait3A_112 = arith.constant 0 : i32
        %dma_wait3A_113 = arith.constant 0 : i32
        %dma_wait3A_114 = tpu.memref_slice %arg2[%dma_wait3A_112, %dma_wait3A_113] : memref<10000x128xf32, #tpu.memory_space<hbm>> -> memref<64x128xf32, #tpu.memory_space<hbm>>
        %dma_wait3A_115 = arith.constant 0 : i32
        %dma_wait3A_116 = arith.constant 0 : i32
        %dma_wait3A_117 = tpu.memref_slice %arg2[%dma_wait3A_115, %dma_wait3A_116] : memref<10000x128xf32, #tpu.memory_space<hbm>> -> memref<64x128xf32, #tpu.memory_space<hbm>>
        tpu.wait_dma2 semaphore(%arg22 : memref<!tpu.dma_semaphore, #tpu.memory_space<semaphore_mem>>) src(%dma_wait3A_117 : memref<64x128xf32, #tpu.memory_space<hbm>>) dst(%arg16 : memref<64x128xf32, #tpu.memory_space<vmem>>)
        "tpu.region"() ({
          %run_scoped3A_212 = tpu.sem_alloc : memref<!tpu.dma_semaphore, #tpu.memory_space<semaphore_mem>>
          %dma_start3A_213 = arith.constant 0 : i32
          %dma_start3A_214 = arith.constant 0 : i32
          %dma_start3A_215 = tpu.memref_slice %arg21[%dma_start3A_213, %dma_start3A_214] : memref<10112x128xf32, #tpu.memory_space<vmem_shared>> -> memref<10112x128xf32, #tpu.memory_space<vmem_shared>>
          tpu.enqueue_indirect_dma source(%arg16 : memref<64x128xf32, #tpu.memory_space<vmem>>) target(%dma_start3A_215 : memref<10112x128xf32, #tpu.memory_space<vmem_shared>>) offsets(%arg12 : memref<64xi32, #tpu.memory_space<vmem>>) semaphore(%run_scoped3A_212 : memref<!tpu.dma_semaphore, #tpu.memory_space<semaphore_mem>>) {add = true}
          %dma_wait3A_216 = arith.constant 0 : i32
          %dma_wait3A_217 = arith.constant 0 : i32
          %dma_wait3A_218 = tpu.memref_slice %arg21[%dma_wait3A_216, %dma_wait3A_217] : memref<10112x128xf32, #tpu.memory_space<vmem_shared>> -> memref<10112x128xf32, #tpu.memory_space<vmem_shared>>
          tpu.wait_indirect_dma semaphore(%run_scoped3A_212 : memref<!tpu.dma_semaphore, #tpu.memory_space<semaphore_mem>>) src(%arg16 : memref<64x128xf32, #tpu.memory_space<vmem>>) dst(%dma_wait3A_218 : memref<10112x128xf32, #tpu.memory_space<vmem_shared>>)
          tpu.yield
        }) : () -> ()
        %get3A_118 = arith.constant 0 : index
        %get3A_119 = tpu.vector_load %arg12[%get3A_118] {strides = array<i32>} : memref<64xi32, #tpu.memory_space<vmem>>, vector<16xi32>,
        tpu.vector_store_idx %arg20[%get3A_119], %broadcast_in_dim3A_8 {add = true} : memref<10112xf32, #tpu.memory_space<vmem>>[vector<16xi32>], vector<16xf32>,
        %get3A_120 = arith.constant 16 : index
        %get3A_121 = tpu.vector_load %arg12[%get3A_120] {strides = array<i32>} : memref<64xi32, #tpu.memory_space<vmem>>, vector<16xi32>,
        tpu.vector_store_idx %arg20[%get3A_121], %broadcast_in_dim3A_8 {add = true} : memref<10112xf32, #tpu.memory_space<vmem>>[vector<16xi32>], vector<16xf32>,
        %get3A_122 = arith.constant 32 : index
        %get3A_123 = tpu.vector_load %arg12[%get3A_122] {strides = array<i32>} : memref<64xi32, #tpu.memory_space<vmem>>, vector<16xi32>,
        tpu.vector_store_idx %arg20[%get3A_123], %broadcast_in_dim3A_8 {add = true} : memref<10112xf32, #tpu.memory_space<vmem>>[vector<16xi32>], vector<16xf32>,
        %get3A_124 = arith.constant 48 : index
        %get3A_125 = tpu.vector_load %arg12[%get3A_124] {strides = array<i32>} : memref<64xi32, #tpu.memory_space<vmem>>, vector<16xi32>,
        tpu.vector_store_idx %arg20[%get3A_125], %broadcast_in_dim3A_8 {add = true} : memref<10112xf32, #tpu.memory_space<vmem>>[vector<16xi32>], vector<16xf32>,
        %add3A_126 = arith.constant 0 : i32
        %add3A_127 = arith.addi %mul3A_111, %add3A_126 : i32
        %add3A_128 = arith.constant 4 : i32
        %add3A_129 = arith.addi %add3A_127, %add3A_128 : i32
        %mul3A_130 = arith.constant 64 : i32
        %mul3A_131 = arith.muli %add3A_129, %mul3A_130 : i32
        %add3A_132 = arith.addi %mul3A_26, %mul3A_131 : i32
        %multiple_of3A_133 = tpu.assume_multiple %add3A_132, 64 : i32
        "tpu.region"() ({
          %run_scoped3A_212 = tpu.sem_alloc : memref<!tpu.dma_semaphore, #tpu.memory_space<semaphore_mem>>
          %dma_start3A_213 = tpu.memref_slice %arg3[%multiple_of3A_133] : memref<327680xi32, #tpu.memory_space<hbm>> -> memref<64xi32, #tpu.memory_space<hbm>>
          %dma_start3A_214 = tpu.memref_slice %arg3[%multiple_of3A_133] : memref<327680xi32, #tpu.memory_space<hbm>> -> memref<64xi32, #tpu.memory_space<hbm>>
          tpu.enqueue_dma source(%dma_start3A_214 : memref<64xi32, #tpu.memory_space<hbm>>) target(%arg8 : memref<64xi32, #tpu.memory_space<vmem>>) target_semaphore(%run_scoped3A_212 : memref<!tpu.dma_semaphore, #tpu.memory_space<semaphore_mem>>)
          %dma_wait3A_215 = tpu.memref_slice %arg3[%multiple_of3A_133] : memref<327680xi32, #tpu.memory_space<hbm>> -> memref<64xi32, #tpu.memory_space<hbm>>
          %dma_wait3A_216 = tpu.memref_slice %arg3[%multiple_of3A_133] : memref<327680xi32, #tpu.memory_space<hbm>> -> memref<64xi32, #tpu.memory_space<hbm>>
          tpu.wait_dma2 semaphore(%run_scoped3A_212 : memref<!tpu.dma_semaphore, #tpu.memory_space<semaphore_mem>>) src(%dma_wait3A_216 : memref<64xi32, #tpu.memory_space<hbm>>) dst(%arg8 : memref<64xi32, #tpu.memory_space<vmem>>)
          tpu.yield
        }) : () -> ()
        "tpu.region"() ({
          %run_scoped3A_212 = tpu.sem_alloc : memref<!tpu.dma_semaphore, #tpu.memory_space<semaphore_mem>>
          %dma_start3A_213 = tpu.memref_slice %arg4[%multiple_of3A_133] : memref<327680xi32, #tpu.memory_space<hbm>> -> memref<64xi32, #tpu.memory_space<hbm>>
          %dma_start3A_214 = tpu.memref_slice %arg4[%multiple_of3A_133] : memref<327680xi32, #tpu.memory_space<hbm>> -> memref<64xi32, #tpu.memory_space<hbm>>
          tpu.enqueue_dma source(%dma_start3A_214 : memref<64xi32, #tpu.memory_space<hbm>>) target(%arg12 : memref<64xi32, #tpu.memory_space<vmem>>) target_semaphore(%run_scoped3A_212 : memref<!tpu.dma_semaphore, #tpu.memory_space<semaphore_mem>>)
          %dma_wait3A_215 = tpu.memref_slice %arg4[%multiple_of3A_133] : memref<327680xi32, #tpu.memory_space<hbm>> -> memref<64xi32, #tpu.memory_space<hbm>>
          %dma_wait3A_216 = tpu.memref_slice %arg4[%multiple_of3A_133] : memref<327680xi32, #tpu.memory_space<hbm>> -> memref<64xi32, #tpu.memory_space<hbm>>
          tpu.wait_dma2 semaphore(%run_scoped3A_212 : memref<!tpu.dma_semaphore, #tpu.memory_space<semaphore_mem>>) src(%dma_wait3A_216 : memref<64xi32, #tpu.memory_space<hbm>>) dst(%arg12 : memref<64xi32, #tpu.memory_space<vmem>>)
          tpu.yield
        }) : () -> ()
        %dma_start3A_134 = arith.constant 0 : i32
        %dma_start3A_135 = arith.constant 0 : i32
        %dma_start3A_136 = tpu.memref_slice %arg2[%dma_start3A_134, %dma_start3A_135] : memref<10000x128xf32, #tpu.memory_space<hbm>> -> memref<10000x128xf32, #tpu.memory_space<hbm>>
        tpu.enqueue_indirect_dma source(%dma_start3A_136 : memref<10000x128xf32, #tpu.memory_space<hbm>>) target(%arg16 : memref<64x128xf32, #tpu.memory_space<vmem>>) offsets(%arg8 : memref<64xi32, #tpu.memory_space<vmem>>) semaphore(%arg22 : memref<!tpu.dma_semaphore, #tpu.memory_space<semaphore_mem>>)
        %dma_wait3A_137 = arith.constant 0 : i32
        %dma_wait3A_138 = arith.constant 0 : i32
        %dma_wait3A_139 = tpu.memref_slice %arg2[%dma_wait3A_137, %dma_wait3A_138] : memref<10000x128xf32, #tpu.memory_space<hbm>> -> memref<64x128xf32, #tpu.memory_space<hbm>>
        %dma_wait3A_140 = arith.constant 0 : i32
        %dma_wait3A_141 = arith.constant 0 : i32
        %dma_wait3A_142 = tpu.memref_slice %arg2[%dma_wait3A_140, %dma_wait3A_141] : memref<10000x128xf32, #tpu.memory_space<hbm>> -> memref<64x128xf32, #tpu.memory_space<hbm>>
        tpu.wait_dma2 semaphore(%arg23 : memref<!tpu.dma_semaphore, #tpu.memory_space<semaphore_mem>>) src(%dma_wait3A_142 : memref<64x128xf32, #tpu.memory_space<hbm>>) dst(%arg17 : memref<64x128xf32, #tpu.memory_space<vmem>>)
        "tpu.region"() ({
          %run_scoped3A_212 = tpu.sem_alloc : memref<!tpu.dma_semaphore, #tpu.memory_space<semaphore_mem>>
          %dma_start3A_213 = arith.constant 0 : i32
          %dma_start3A_214 = arith.constant 0 : i32
          %dma_start3A_215 = tpu.memref_slice %arg21[%dma_start3A_213, %dma_start3A_214] : memref<10112x128xf32, #tpu.memory_space<vmem_shared>> -> memref<10112x128xf32, #tpu.memory_space<vmem_shared>>
          tpu.enqueue_indirect_dma source(%arg17 : memref<64x128xf32, #tpu.memory_space<vmem>>) target(%dma_start3A_215 : memref<10112x128xf32, #tpu.memory_space<vmem_shared>>) offsets(%arg13 : memref<64xi32, #tpu.memory_space<vmem>>) semaphore(%run_scoped3A_212 : memref<!tpu.dma_semaphore, #tpu.memory_space<semaphore_mem>>) {add = true}
          %dma_wait3A_216 = arith.constant 0 : i32
          %dma_wait3A_217 = arith.constant 0 : i32
          %dma_wait3A_218 = tpu.memref_slice %arg21[%dma_wait3A_216, %dma_wait3A_217] : memref<10112x128xf32, #tpu.memory_space<vmem_shared>> -> memref<10112x128xf32, #tpu.memory_space<vmem_shared>>
          tpu.wait_indirect_dma semaphore(%run_scoped3A_212 : memref<!tpu.dma_semaphore, #tpu.memory_space<semaphore_mem>>) src(%arg17 : memref<64x128xf32, #tpu.memory_space<vmem>>) dst(%dma_wait3A_218 : memref<10112x128xf32, #tpu.memory_space<vmem_shared>>)
          tpu.yield
        }) : () -> ()
        %get3A_143 = arith.constant 0 : index
        %get3A_144 = tpu.vector_load %arg13[%get3A_143] {strides = array<i32>} : memref<64xi32, #tpu.memory_space<vmem>>, vector<16xi32>,
        tpu.vector_store_idx %arg20[%get3A_144], %broadcast_in_dim3A_8 {add = true} : memref<10112xf32, #tpu.memory_space<vmem>>[vector<16xi32>], vector<16xf32>,
        %get3A_145 = arith.constant 16 : index
        %get3A_146 = tpu.vector_load %arg13[%get3A_145] {strides = array<i32>} : memref<64xi32, #tpu.memory_space<vmem>>, vector<16xi32>,
        tpu.vector_store_idx %arg20[%get3A_146], %broadcast_in_dim3A_8 {add = true} : memref<10112xf32, #tpu.memory_space<vmem>>[vector<16xi32>], vector<16xf32>,
        %get3A_147 = arith.constant 32 : index
        %get3A_148 = tpu.vector_load %arg13[%get3A_147] {strides = array<i32>} : memref<64xi32, #tpu.memory_space<vmem>>, vector<16xi32>,
        tpu.vector_store_idx %arg20[%get3A_148], %broadcast_in_dim3A_8 {add = true} : memref<10112xf32, #tpu.memory_space<vmem>>[vector<16xi32>], vector<16xf32>,
        %get3A_149 = arith.constant 48 : index
        %get3A_150 = tpu.vector_load %arg13[%get3A_149] {strides = array<i32>} : memref<64xi32, #tpu.memory_space<vmem>>, vector<16xi32>,
        tpu.vector_store_idx %arg20[%get3A_150], %broadcast_in_dim3A_8 {add = true} : memref<10112xf32, #tpu.memory_space<vmem>>[vector<16xi32>], vector<16xf32>,
        %add3A_151 = arith.constant 1 : i32
        %add3A_152 = arith.addi %mul3A_111, %add3A_151 : i32
        %add3A_153 = arith.constant 4 : i32
        %add3A_154 = arith.addi %add3A_152, %add3A_153 : i32
        %mul3A_155 = arith.constant 64 : i32
        %mul3A_156 = arith.muli %add3A_154, %mul3A_155 : i32
        %add3A_157 = arith.addi %mul3A_26, %mul3A_156 : i32
        %multiple_of3A_158 = tpu.assume_multiple %add3A_157, 64 : i32
        "tpu.region"() ({
          %run_scoped3A_212 = tpu.sem_alloc : memref<!tpu.dma_semaphore, #tpu.memory_space<semaphore_mem>>
          %dma_start3A_213 = tpu.memref_slice %arg3[%multiple_of3A_158] : memref<327680xi32, #tpu.memory_space<hbm>> -> memref<64xi32, #tpu.memory_space<hbm>>
          %dma_start3A_214 = tpu.memref_slice %arg3[%multiple_of3A_158] : memref<327680xi32, #tpu.memory_space<hbm>> -> memref<64xi32, #tpu.memory_space<hbm>>
          tpu.enqueue_dma source(%dma_start3A_214 : memref<64xi32, #tpu.memory_space<hbm>>) target(%arg9 : memref<64xi32, #tpu.memory_space<vmem>>) target_semaphore(%run_scoped3A_212 : memref<!tpu.dma_semaphore, #tpu.memory_space<semaphore_mem>>)
          %dma_wait3A_215 = tpu.memref_slice %arg3[%multiple_of3A_158] : memref<327680xi32, #tpu.memory_space<hbm>> -> memref<64xi32, #tpu.memory_space<hbm>>
          %dma_wait3A_216 = tpu.memref_slice %arg3[%multiple_of3A_158] : memref<327680xi32, #tpu.memory_space<hbm>> -> memref<64xi32, #tpu.memory_space<hbm>>
          tpu.wait_dma2 semaphore(%run_scoped3A_212 : memref<!tpu.dma_semaphore, #tpu.memory_space<semaphore_mem>>) src(%dma_wait3A_216 : memref<64xi32, #tpu.memory_space<hbm>>) dst(%arg9 : memref<64xi32, #tpu.memory_space<vmem>>)
          tpu.yield
        }) : () -> ()
        "tpu.region"() ({
          %run_scoped3A_212 = tpu.sem_alloc : memref<!tpu.dma_semaphore, #tpu.memory_space<semaphore_mem>>
          %dma_start3A_213 = tpu.memref_slice %arg4[%multiple_of3A_158] : memref<327680xi32, #tpu.memory_space<hbm>> -> memref<64xi32, #tpu.memory_space<hbm>>
          %dma_start3A_214 = tpu.memref_slice %arg4[%multiple_of3A_158] : memref<327680xi32, #tpu.memory_space<hbm>> -> memref<64xi32, #tpu.memory_space<hbm>>
          tpu.enqueue_dma source(%dma_start3A_214 : memref<64xi32, #tpu.memory_space<hbm>>) target(%arg13 : memref<64xi32, #tpu.memory_space<vmem>>) target_semaphore(%run_scoped3A_212 : memref<!tpu.dma_semaphore, #tpu.memory_space<semaphore_mem>>)
          %dma_wait3A_215 = tpu.memref_slice %arg4[%multiple_of3A_158] : memref<327680xi32, #tpu.memory_space<hbm>> -> memref<64xi32, #tpu.memory_space<hbm>>
          %dma_wait3A_216 = tpu.memref_slice %arg4[%multiple_of3A_158] : memref<327680xi32, #tpu.memory_space<hbm>> -> memref<64xi32, #tpu.memory_space<hbm>>
          tpu.wait_dma2 semaphore(%run_scoped3A_212 : memref<!tpu.dma_semaphore, #tpu.memory_space<semaphore_mem>>) src(%dma_wait3A_216 : memref<64xi32, #tpu.memory_space<hbm>>) dst(%arg13 : memref<64xi32, #tpu.memory_space<vmem>>)
          tpu.yield
        }) : () -> ()
        %dma_start3A_159 = arith.constant 0 : i32
        %dma_start3A_160 = arith.constant 0 : i32
        %dma_start3A_161 = tpu.memref_slice %arg2[%dma_start3A_159, %dma_start3A_160] : memref<10000x128xf32, #tpu.memory_space<hbm>> -> memref<10000x128xf32, #tpu.memory_space<hbm>>
        tpu.enqueue_indirect_dma source(%dma_start3A_161 : memref<10000x128xf32, #tpu.memory_space<hbm>>) target(%arg17 : memref<64x128xf32, #tpu.memory_space<vmem>>) offsets(%arg9 : memref<64xi32, #tpu.memory_space<vmem>>) semaphore(%arg23 : memref<!tpu.dma_semaphore, #tpu.memory_space<semaphore_mem>>)
        %dma_wait3A_162 = arith.constant 0 : i32
        %dma_wait3A_163 = arith.constant 0 : i32
        %dma_wait3A_164 = tpu.memref_slice %arg2[%dma_wait3A_162, %dma_wait3A_163] : memref<10000x128xf32, #tpu.memory_space<hbm>> -> memref<64x128xf32, #tpu.memory_space<hbm>>
        %dma_wait3A_165 = arith.constant 0 : i32
        %dma_wait3A_166 = arith.constant 0 : i32
        %dma_wait3A_167 = tpu.memref_slice %arg2[%dma_wait3A_165, %dma_wait3A_166] : memref<10000x128xf32, #tpu.memory_space<hbm>> -> memref<64x128xf32, #tpu.memory_space<hbm>>
        tpu.wait_dma2 semaphore(%arg24 : memref<!tpu.dma_semaphore, #tpu.memory_space<semaphore_mem>>) src(%dma_wait3A_167 : memref<64x128xf32, #tpu.memory_space<hbm>>) dst(%arg18 : memref<64x128xf32, #tpu.memory_space<vmem>>)
        "tpu.region"() ({
          %run_scoped3A_212 = tpu.sem_alloc : memref<!tpu.dma_semaphore, #tpu.memory_space<semaphore_mem>>
          %dma_start3A_213 = arith.constant 0 : i32
          %dma_start3A_214 = arith.constant 0 : i32
          %dma_start3A_215 = tpu.memref_slice %arg21[%dma_start3A_213, %dma_start3A_214] : memref<10112x128xf32, #tpu.memory_space<vmem_shared>> -> memref<10112x128xf32, #tpu.memory_space<vmem_shared>>
          tpu.enqueue_indirect_dma source(%arg18 : memref<64x128xf32, #tpu.memory_space<vmem>>) target(%dma_start3A_215 : memref<10112x128xf32, #tpu.memory_space<vmem_shared>>) offsets(%arg14 : memref<64xi32, #tpu.memory_space<vmem>>) semaphore(%run_scoped3A_212 : memref<!tpu.dma_semaphore, #tpu.memory_space<semaphore_mem>>) {add = true}
          %dma_wait3A_216 = arith.constant 0 : i32
          %dma_wait3A_217 = arith.constant 0 : i32
          %dma_wait3A_218 = tpu.memref_slice %arg21[%dma_wait3A_216, %dma_wait3A_217] : memref<10112x128xf32, #tpu.memory_space<vmem_shared>> -> memref<10112x128xf32, #tpu.memory_space<vmem_shared>>
          tpu.wait_indirect_dma semaphore(%run_scoped3A_212 : memref<!tpu.dma_semaphore, #tpu.memory_space<semaphore_mem>>) src(%arg18 : memref<64x128xf32, #tpu.memory_space<vmem>>) dst(%dma_wait3A_218 : memref<10112x128xf32, #tpu.memory_space<vmem_shared>>)
          tpu.yield
        }) : () -> ()
        %get3A_168 = arith.constant 0 : index
        %get3A_169 = tpu.vector_load %arg14[%get3A_168] {strides = array<i32>} : memref<64xi32, #tpu.memory_space<vmem>>, vector<16xi32>,
        tpu.vector_store_idx %arg20[%get3A_169], %broadcast_in_dim3A_8 {add = true} : memref<10112xf32, #tpu.memory_space<vmem>>[vector<16xi32>], vector<16xf32>,
        %get3A_170 = arith.constant 16 : index
        %get3A_171 = tpu.vector_load %arg14[%get3A_170] {strides = array<i32>} : memref<64xi32, #tpu.memory_space<vmem>>, vector<16xi32>,
        tpu.vector_store_idx %arg20[%get3A_171], %broadcast_in_dim3A_8 {add = true} : memref<10112xf32, #tpu.memory_space<vmem>>[vector<16xi32>], vector<16xf32>,
        %get3A_172 = arith.constant 32 : index
        %get3A_173 = tpu.vector_load %arg14[%get3A_172] {strides = array<i32>} : memref<64xi32, #tpu.memory_space<vmem>>, vector<16xi32>,
        tpu.vector_store_idx %arg20[%get3A_173], %broadcast_in_dim3A_8 {add = true} : memref<10112xf32, #tpu.memory_space<vmem>>[vector<16xi32>], vector<16xf32>,
        %get3A_174 = arith.constant 48 : index
        %get3A_175 = tpu.vector_load %arg14[%get3A_174] {strides = array<i32>} : memref<64xi32, #tpu.memory_space<vmem>>, vector<16xi32>,
        tpu.vector_store_idx %arg20[%get3A_175], %broadcast_in_dim3A_8 {add = true} : memref<10112xf32, #tpu.memory_space<vmem>>[vector<16xi32>], vector<16xf32>,
        %add3A_176 = arith.constant 2 : i32
        %add3A_177 = arith.addi %mul3A_111, %add3A_176 : i32
        %add3A_178 = arith.constant 4 : i32
        %add3A_179 = arith.addi %add3A_177, %add3A_178 : i32
        %mul3A_180 = arith.constant 64 : i32
        %mul3A_181 = arith.muli %add3A_179, %mul3A_180 : i32
        %add3A_182 = arith.addi %mul3A_26, %mul3A_181 : i32
        %multiple_of3A_183 = tpu.assume_multiple %add3A_182, 64 : i32
        "tpu.region"() ({
          %run_scoped3A_212 = tpu.sem_alloc : memref<!tpu.dma_semaphore, #tpu.memory_space<semaphore_mem>>
          %dma_start3A_213 = tpu.memref_slice %arg3[%multiple_of3A_183] : memref<327680xi32, #tpu.memory_space<hbm>> -> memref<64xi32, #tpu.memory_space<hbm>>
          %dma_start3A_214 = tpu.memref_slice %arg3[%multiple_of3A_183] : memref<327680xi32, #tpu.memory_space<hbm>> -> memref<64xi32, #tpu.memory_space<hbm>>
          tpu.enqueue_dma source(%dma_start3A_214 : memref<64xi32, #tpu.memory_space<hbm>>) target(%arg10 : memref<64xi32, #tpu.memory_space<vmem>>) target_semaphore(%run_scoped3A_212 : memref<!tpu.dma_semaphore, #tpu.memory_space<semaphore_mem>>)
          %dma_wait3A_215 = tpu.memref_slice %arg3[%multiple_of3A_183] : memref<327680xi32, #tpu.memory_space<hbm>> -> memref<64xi32, #tpu.memory_space<hbm>>
          %dma_wait3A_216 = tpu.memref_slice %arg3[%multiple_of3A_183] : memref<327680xi32, #tpu.memory_space<hbm>> -> memref<64xi32, #tpu.memory_space<hbm>>
          tpu.wait_dma2 semaphore(%run_scoped3A_212 : memref<!tpu.dma_semaphore, #tpu.memory_space<semaphore_mem>>) src(%dma_wait3A_216 : memref<64xi32, #tpu.memory_space<hbm>>) dst(%arg10 : memref<64xi32, #tpu.memory_space<vmem>>)
          tpu.yield
        }) : () -> ()
        "tpu.region"() ({
          %run_scoped3A_212 = tpu.sem_alloc : memref<!tpu.dma_semaphore, #tpu.memory_space<semaphore_mem>>
          %dma_start3A_213 = tpu.memref_slice %arg4[%multiple_of3A_183] : memref<327680xi32, #tpu.memory_space<hbm>> -> memref<64xi32, #tpu.memory_space<hbm>>
          %dma_start3A_214 = tpu.memref_slice %arg4[%multiple_of3A_183] : memref<327680xi32, #tpu.memory_space<hbm>> -> memref<64xi32, #tpu.memory_space<hbm>>
          tpu.enqueue_dma source(%dma_start3A_214 : memref<64xi32, #tpu.memory_space<hbm>>) target(%arg14 : memref<64xi32, #tpu.memory_space<vmem>>) target_semaphore(%run_scoped3A_212 : memref<!tpu.dma_semaphore, #tpu.memory_space<semaphore_mem>>)
          %dma_wait3A_215 = tpu.memref_slice %arg4[%multiple_of3A_183] : memref<327680xi32, #tpu.memory_space<hbm>> -> memref<64xi32, #tpu.memory_space<hbm>>
          %dma_wait3A_216 = tpu.memref_slice %arg4[%multiple_of3A_183] : memref<327680xi32, #tpu.memory_space<hbm>> -> memref<64xi32, #tpu.memory_space<hbm>>
          tpu.wait_dma2 semaphore(%run_scoped3A_212 : memref<!tpu.dma_semaphore, #tpu.memory_space<semaphore_mem>>) src(%dma_wait3A_216 : memref<64xi32, #tpu.memory_space<hbm>>) dst(%arg14 : memref<64xi32, #tpu.memory_space<vmem>>)
          tpu.yield
        }) : () -> ()
        %dma_start3A_184 = arith.constant 0 : i32
        %dma_start3A_185 = arith.constant 0 : i32
        %dma_start3A_186 = tpu.memref_slice %arg2[%dma_start3A_184, %dma_start3A_185] : memref<10000x128xf32, #tpu.memory_space<hbm>> -> memref<10000x128xf32, #tpu.memory_space<hbm>>
        tpu.enqueue_indirect_dma source(%dma_start3A_186 : memref<10000x128xf32, #tpu.memory_space<hbm>>) target(%arg18 : memref<64x128xf32, #tpu.memory_space<vmem>>) offsets(%arg10 : memref<64xi32, #tpu.memory_space<vmem>>) semaphore(%arg24 : memref<!tpu.dma_semaphore, #tpu.memory_space<semaphore_mem>>)
        %dma_wait3A_187 = arith.constant 0 : i32
        %dma_wait3A_188 = arith.constant 0 : i32
        %dma_wait3A_189 = tpu.memref_slice %arg2[%dma_wait3A_187, %dma_wait3A_188] : memref<10000x128xf32, #tpu.memory_space<hbm>> -> memref<64x128xf32, #tpu.memory_space<hbm>>
        %dma_wait3A_190 = arith.constant 0 : i32
        %dma_wait3A_191 = arith.constant 0 : i32
        %dma_wait3A_192 = tpu.memref_slice %arg2[%dma_wait3A_190, %dma_wait3A_191] : memref<10000x128xf32, #tpu.memory_space<hbm>> -> memref<64x128xf32, #tpu.memory_space<hbm>>
        tpu.wait_dma2 semaphore(%arg25 : memref<!tpu.dma_semaphore, #tpu.memory_space<semaphore_mem>>) src(%dma_wait3A_192 : memref<64x128xf32, #tpu.memory_space<hbm>>) dst(%arg19 : memref<64x128xf32, #tpu.memory_space<vmem>>)
        "tpu.region"() ({
          %run_scoped3A_212 = tpu.sem_alloc : memref<!tpu.dma_semaphore, #tpu.memory_space<semaphore_mem>>
          %dma_start3A_213 = arith.constant 0 : i32
          %dma_start3A_214 = arith.constant 0 : i32
          %dma_start3A_215 = tpu.memref_slice %arg21[%dma_start3A_213, %dma_start3A_214] : memref<10112x128xf32, #tpu.memory_space<vmem_shared>> -> memref<10112x128xf32, #tpu.memory_space<vmem_shared>>
          tpu.enqueue_indirect_dma source(%arg19 : memref<64x128xf32, #tpu.memory_space<vmem>>) target(%dma_start3A_215 : memref<10112x128xf32, #tpu.memory_space<vmem_shared>>) offsets(%arg15 : memref<64xi32, #tpu.memory_space<vmem>>) semaphore(%run_scoped3A_212 : memref<!tpu.dma_semaphore, #tpu.memory_space<semaphore_mem>>) {add = true}
          %dma_wait3A_216 = arith.constant 0 : i32
          %dma_wait3A_217 = arith.constant 0 : i32
          %dma_wait3A_218 = tpu.memref_slice %arg21[%dma_wait3A_216, %dma_wait3A_217] : memref<10112x128xf32, #tpu.memory_space<vmem_shared>> -> memref<10112x128xf32, #tpu.memory_space<vmem_shared>>
          tpu.wait_indirect_dma semaphore(%run_scoped3A_212 : memref<!tpu.dma_semaphore, #tpu.memory_space<semaphore_mem>>) src(%arg19 : memref<64x128xf32, #tpu.memory_space<vmem>>) dst(%dma_wait3A_218 : memref<10112x128xf32, #tpu.memory_space<vmem_shared>>)
          tpu.yield
        }) : () -> ()
        %get3A_193 = arith.constant 0 : index
        %get3A_194 = tpu.vector_load %arg15[%get3A_193] {strides = array<i32>} : memref<64xi32, #tpu.memory_space<vmem>>, vector<16xi32>,
        tpu.vector_store_idx %arg20[%get3A_194], %broadcast_in_dim3A_8 {add = true} : memref<10112xf32, #tpu.memory_space<vmem>>[vector<16xi32>], vector<16xf32>,
        %get3A_195 = arith.constant 16 : index
        %get3A_196 = tpu.vector_load %arg15[%get3A_195] {strides = array<i32>} : memref<64xi32, #tpu.memory_space<vmem>>, vector<16xi32>,
        tpu.vector_store_idx %arg20[%get3A_196], %broadcast_in_dim3A_8 {add = true} : memref<10112xf32, #tpu.memory_space<vmem>>[vector<16xi32>], vector<16xf32>,
        %get3A_197 = arith.constant 32 : index
        %get3A_198 = tpu.vector_load %arg15[%get3A_197] {strides = array<i32>} : memref<64xi32, #tpu.memory_space<vmem>>, vector<16xi32>,
        tpu.vector_store_idx %arg20[%get3A_198], %broadcast_in_dim3A_8 {add = true} : memref<10112xf32, #tpu.memory_space<vmem>>[vector<16xi32>], vector<16xf32>,
        %get3A_199 = arith.constant 48 : index
        %get3A_200 = tpu.vector_load %arg15[%get3A_199] {strides = array<i32>} : memref<64xi32, #tpu.memory_space<vmem>>, vector<16xi32>,
        tpu.vector_store_idx %arg20[%get3A_200], %broadcast_in_dim3A_8 {add = true} : memref<10112xf32, #tpu.memory_space<vmem>>[vector<16xi32>], vector<16xf32>,
        %add3A_201 = arith.constant 3 : i32
        %add3A_202 = arith.addi %mul3A_111, %add3A_201 : i32
        %add3A_203 = arith.constant 4 : i32
        %add3A_204 = arith.addi %add3A_202, %add3A_203 : i32
        %mul3A_205 = arith.constant 64 : i32
        %mul3A_206 = arith.muli %add3A_204, %mul3A_205 : i32
        %add3A_207 = arith.addi %mul3A_26, %mul3A_206 : i32
        %multiple_of3A_208 = tpu.assume_multiple %add3A_207, 64 : i32
        "tpu.region"() ({
          %run_scoped3A_212 = tpu.sem_alloc : memref<!tpu.dma_semaphore, #tpu.memory_space<semaphore_mem>>
          %dma_start3A_213 = tpu.memref_slice %arg3[%multiple_of3A_208] : memref<327680xi32, #tpu.memory_space<hbm>> -> memref<64xi32, #tpu.memory_space<hbm>>
          %dma_start3A_214 = tpu.memref_slice %arg3[%multiple_of3A_208] : memref<327680xi32, #tpu.memory_space<hbm>> -> memref<64xi32, #tpu.memory_space<hbm>>
          tpu.enqueue_dma source(%dma_start3A_214 : memref<64xi32, #tpu.memory_space<hbm>>) target(%arg11 : memref<64xi32, #tpu.memory_space<vmem>>) target_semaphore(%run_scoped3A_212 : memref<!tpu.dma_semaphore, #tpu.memory_space<semaphore_mem>>)
          %dma_wait3A_215 = tpu.memref_slice %arg3[%multiple_of3A_208] : memref<327680xi32, #tpu.memory_space<hbm>> -> memref<64xi32, #tpu.memory_space<hbm>>
          %dma_wait3A_216 = tpu.memref_slice %arg3[%multiple_of3A_208] : memref<327680xi32, #tpu.memory_space<hbm>> -> memref<64xi32, #tpu.memory_space<hbm>>
          tpu.wait_dma2 semaphore(%run_scoped3A_212 : memref<!tpu.dma_semaphore, #tpu.memory_space<semaphore_mem>>) src(%dma_wait3A_216 : memref<64xi32, #tpu.memory_space<hbm>>) dst(%arg11 : memref<64xi32, #tpu.memory_space<vmem>>)
          tpu.yield
        }) : () -> ()
        "tpu.region"() ({
          %run_scoped3A_212 = tpu.sem_alloc : memref<!tpu.dma_semaphore, #tpu.memory_space<semaphore_mem>>
          %dma_start3A_213 = tpu.memref_slice %arg4[%multiple_of3A_208] : memref<327680xi32, #tpu.memory_space<hbm>> -> memref<64xi32, #tpu.memory_space<hbm>>
          %dma_start3A_214 = tpu.memref_slice %arg4[%multiple_of3A_208] : memref<327680xi32, #tpu.memory_space<hbm>> -> memref<64xi32, #tpu.memory_space<hbm>>
          tpu.enqueue_dma source(%dma_start3A_214 : memref<64xi32, #tpu.memory_space<hbm>>) target(%arg15 : memref<64xi32, #tpu.memory_space<vmem>>) target_semaphore(%run_scoped3A_212 : memref<!tpu.dma_semaphore, #tpu.memory_space<semaphore_mem>>)
          %dma_wait3A_215 = tpu.memref_slice %arg4[%multiple_of3A_208] : memref<327680xi32, #tpu.memory_space<hbm>> -> memref<64xi32, #tpu.memory_space<hbm>>
          %dma_wait3A_216 = tpu.memref_slice %arg4[%multiple_of3A_208] : memref<327680xi32, #tpu.memory_space<hbm>> -> memref<64xi32, #tpu.memory_space<hbm>>
          tpu.wait_dma2 semaphore(%run_scoped3A_212 : memref<!tpu.dma_semaphore, #tpu.memory_space<semaphore_mem>>) src(%dma_wait3A_216 : memref<64xi32, #tpu.memory_space<hbm>>) dst(%arg15 : memref<64xi32, #tpu.memory_space<vmem>>)
          tpu.yield
        }) : () -> ()
        %dma_start3A_209 = arith.constant 0 : i32
        %dma_start3A_210 = arith.constant 0 : i32
        %dma_start3A_211 = tpu.memref_slice %arg2[%dma_start3A_209, %dma_start3A_210] : memref<10000x128xf32, #tpu.memory_space<hbm>> -> memref<10000x128xf32, #tpu.memory_space<hbm>>
        tpu.enqueue_indirect_dma source(%dma_start3A_211 : memref<10000x128xf32, #tpu.memory_space<hbm>>) target(%arg19 : memref<64x128xf32, #tpu.memory_space<vmem>>) offsets(%arg11 : memref<64xi32, #tpu.memory_space<vmem>>) semaphore(%arg25 : memref<!tpu.dma_semaphore, #tpu.memory_space<semaphore_mem>>)
      }
      %scan3A_54 = arith.constant 63 : i32
      %dma_wait3A = arith.constant 0 : i32
      %dma_wait3A_55 = arith.constant 0 : i32
      %dma_wait3A_56 = tpu.memref_slice %arg2[%dma_wait3A, %dma_wait3A_55] : memref<10000x128xf32, #tpu.memory_space<hbm>> -> memref<64x128xf32, #tpu.memory_space<hbm>>
      %dma_wait3A_57 = arith.constant 0 : i32
      %dma_wait3A_58 = arith.constant 0 : i32
      %dma_wait3A_59 = tpu.memref_slice %arg2[%dma_wait3A_57, %dma_wait3A_58] : memref<10000x128xf32, #tpu.memory_space<hbm>> -> memref<64x128xf32, #tpu.memory_space<hbm>>
      tpu.wait_dma2 semaphore(%arg22 : memref<!tpu.dma_semaphore, #tpu.memory_space<semaphore_mem>>) src(%dma_wait3A_59 : memref<64x128xf32, #tpu.memory_space<hbm>>) dst(%arg16 : memref<64x128xf32, #tpu.memory_space<vmem>>)
      "tpu.region"() ({
        %run_scoped3A_109 = tpu.sem_alloc : memref<!tpu.dma_semaphore, #tpu.memory_space<semaphore_mem>>
        %dma_start3A_110 = arith.constant 0 : i32
        %dma_start3A_111 = arith.constant 0 : i32
        %dma_start3A_112 = tpu.memref_slice %arg21[%dma_start3A_110, %dma_start3A_111] : memref<10112x128xf32, #tpu.memory_space<vmem_shared>> -> memref<10112x128xf32, #tpu.memory_space<vmem_shared>>
        tpu.enqueue_indirect_dma source(%arg16 : memref<64x128xf32, #tpu.memory_space<vmem>>) target(%dma_start3A_112 : memref<10112x128xf32, #tpu.memory_space<vmem_shared>>) offsets(%arg12 : memref<64xi32, #tpu.memory_space<vmem>>) semaphore(%run_scoped3A_109 : memref<!tpu.dma_semaphore, #tpu.memory_space<semaphore_mem>>) {add = true}
        %dma_wait3A_113 = arith.constant 0 : i32
        %dma_wait3A_114 = arith.constant 0 : i32
        %dma_wait3A_115 = tpu.memref_slice %arg21[%dma_wait3A_113, %dma_wait3A_114] : memref<10112x128xf32, #tpu.memory_space<vmem_shared>> -> memref<10112x128xf32, #tpu.memory_space<vmem_shared>>
        tpu.wait_indirect_dma semaphore(%run_scoped3A_109 : memref<!tpu.dma_semaphore, #tpu.memory_space<semaphore_mem>>) src(%arg16 : memref<64x128xf32, #tpu.memory_space<vmem>>) dst(%dma_wait3A_115 : memref<10112x128xf32, #tpu.memory_space<vmem_shared>>)
        tpu.yield
      }) : () -> ()
      %get3A = arith.constant 0 : index
      %get3A_60 = tpu.vector_load %arg12[%get3A] {strides = array<i32>} : memref<64xi32, #tpu.memory_space<vmem>>, vector<16xi32>,
      tpu.vector_store_idx %arg20[%get3A_60], %broadcast_in_dim3A_8 {add = true} : memref<10112xf32, #tpu.memory_space<vmem>>[vector<16xi32>], vector<16xf32>,
      %get3A_61 = arith.constant 16 : index
      %get3A_62 = tpu.vector_load %arg12[%get3A_61] {strides = array<i32>} : memref<64xi32, #tpu.memory_space<vmem>>, vector<16xi32>,
      tpu.vector_store_idx %arg20[%get3A_62], %broadcast_in_dim3A_8 {add = true} : memref<10112xf32, #tpu.memory_space<vmem>>[vector<16xi32>], vector<16xf32>,
      %get3A_63 = arith.constant 32 : index
      %get3A_64 = tpu.vector_load %arg12[%get3A_63] {strides = array<i32>} : memref<64xi32, #tpu.memory_space<vmem>>, vector<16xi32>,
      tpu.vector_store_idx %arg20[%get3A_64], %broadcast_in_dim3A_8 {add = true} : memref<10112xf32, #tpu.memory_space<vmem>>[vector<16xi32>], vector<16xf32>,
      %get3A_65 = arith.constant 48 : index
      %get3A_66 = tpu.vector_load %arg12[%get3A_65] {strides = array<i32>} : memref<64xi32, #tpu.memory_space<vmem>>, vector<16xi32>,
      tpu.vector_store_idx %arg20[%get3A_66], %broadcast_in_dim3A_8 {add = true} : memref<10112xf32, #tpu.memory_space<vmem>>[vector<16xi32>], vector<16xf32>,
      %dma_wait3A_67 = arith.constant 0 : i32
      %dma_wait3A_68 = arith.constant 0 : i32
      %dma_wait3A_69 = tpu.memref_slice %arg2[%dma_wait3A_67, %dma_wait3A_68] : memref<10000x128xf32, #tpu.memory_space<hbm>> -> memref<64x128xf32, #tpu.memory_space<hbm>>
      %dma_wait3A_70 = arith.constant 0 : i32
      %dma_wait3A_71 = arith.constant 0 : i32
      %dma_wait3A_72 = tpu.memref_slice %arg2[%dma_wait3A_70, %dma_wait3A_71] : memref<10000x128xf32, #tpu.memory_space<hbm>> -> memref<64x128xf32, #tpu.memory_space<hbm>>
      tpu.wait_dma2 semaphore(%arg23 : memref<!tpu.dma_semaphore, #tpu.memory_space<semaphore_mem>>) src(%dma_wait3A_72 : memref<64x128xf32, #tpu.memory_space<hbm>>) dst(%arg17 : memref<64x128xf32, #tpu.memory_space<vmem>>)
      "tpu.region"() ({
        %run_scoped3A_109 = tpu.sem_alloc : memref<!tpu.dma_semaphore, #tpu.memory_space<semaphore_mem>>
        %dma_start3A_110 = arith.constant 0 : i32
        %dma_start3A_111 = arith.constant 0 : i32
        %dma_start3A_112 = tpu.memref_slice %arg21[%dma_start3A_110, %dma_start3A_111] : memref<10112x128xf32, #tpu.memory_space<vmem_shared>> -> memref<10112x128xf32, #tpu.memory_space<vmem_shared>>
        tpu.enqueue_indirect_dma source(%arg17 : memref<64x128xf32, #tpu.memory_space<vmem>>) target(%dma_start3A_112 : memref<10112x128xf32, #tpu.memory_space<vmem_shared>>) offsets(%arg13 : memref<64xi32, #tpu.memory_space<vmem>>) semaphore(%run_scoped3A_109 : memref<!tpu.dma_semaphore, #tpu.memory_space<semaphore_mem>>) {add = true}
        %dma_wait3A_113 = arith.constant 0 : i32
        %dma_wait3A_114 = arith.constant 0 : i32
        %dma_wait3A_115 = tpu.memref_slice %arg21[%dma_wait3A_113, %dma_wait3A_114] : memref<10112x128xf32, #tpu.memory_space<vmem_shared>> -> memref<10112x128xf32, #tpu.memory_space<vmem_shared>>
        tpu.wait_indirect_dma semaphore(%run_scoped3A_109 : memref<!tpu.dma_semaphore, #tpu.memory_space<semaphore_mem>>) src(%arg17 : memref<64x128xf32, #tpu.memory_space<vmem>>) dst(%dma_wait3A_115 : memref<10112x128xf32, #tpu.memory_space<vmem_shared>>)
        tpu.yield
      }) : () -> ()
      %get3A_73 = arith.constant 0 : index
      %get3A_74 = tpu.vector_load %arg13[%get3A_73] {strides = array<i32>} : memref<64xi32, #tpu.memory_space<vmem>>, vector<16xi32>,
      tpu.vector_store_idx %arg20[%get3A_74], %broadcast_in_dim3A_8 {add = true} : memref<10112xf32, #tpu.memory_space<vmem>>[vector<16xi32>], vector<16xf32>,
      %get3A_75 = arith.constant 16 : index
      %get3A_76 = tpu.vector_load %arg13[%get3A_75] {strides = array<i32>} : memref<64xi32, #tpu.memory_space<vmem>>, vector<16xi32>,
      tpu.vector_store_idx %arg20[%get3A_76], %broadcast_in_dim3A_8 {add = true} : memref<10112xf32, #tpu.memory_space<vmem>>[vector<16xi32>], vector<16xf32>,
      %get3A_77 = arith.constant 32 : index
      %get3A_78 = tpu.vector_load %arg13[%get3A_77] {strides = array<i32>} : memref<64xi32, #tpu.memory_space<vmem>>, vector<16xi32>,
      tpu.vector_store_idx %arg20[%get3A_78], %broadcast_in_dim3A_8 {add = true} : memref<10112xf32, #tpu.memory_space<vmem>>[vector<16xi32>], vector<16xf32>,
      %get3A_79 = arith.constant 48 : index
      %get3A_80 = tpu.vector_load %arg13[%get3A_79] {strides = array<i32>} : memref<64xi32, #tpu.memory_space<vmem>>, vector<16xi32>,
      tpu.vector_store_idx %arg20[%get3A_80], %broadcast_in_dim3A_8 {add = true} : memref<10112xf32, #tpu.memory_space<vmem>>[vector<16xi32>], vector<16xf32>,
      %dma_wait3A_81 = arith.constant 0 : i32
      %dma_wait3A_82 = arith.constant 0 : i32
      %dma_wait3A_83 = tpu.memref_slice %arg2[%dma_wait3A_81, %dma_wait3A_82] : memref<10000x128xf32, #tpu.memory_space<hbm>> -> memref<64x128xf32, #tpu.memory_space<hbm>>
      %dma_wait3A_84 = arith.constant 0 : i32
      %dma_wait3A_85 = arith.constant 0 : i32
      %dma_wait3A_86 = tpu.memref_slice %arg2[%dma_wait3A_84, %dma_wait3A_85] : memref<10000x128xf32, #tpu.memory_space<hbm>> -> memref<64x128xf32, #tpu.memory_space<hbm>>
      tpu.wait_dma2 semaphore(%arg24 : memref<!tpu.dma_semaphore, #tpu.memory_space<semaphore_mem>>) src(%dma_wait3A_86 : memref<64x128xf32, #tpu.memory_space<hbm>>) dst(%arg18 : memref<64x128xf32, #tpu.memory_space<vmem>>)
      "tpu.region"() ({
        %run_scoped3A_109 = tpu.sem_alloc : memref<!tpu.dma_semaphore, #tpu.memory_space<semaphore_mem>>
        %dma_start3A_110 = arith.constant 0 : i32
        %dma_start3A_111 = arith.constant 0 : i32
        %dma_start3A_112 = tpu.memref_slice %arg21[%dma_start3A_110, %dma_start3A_111] : memref<10112x128xf32, #tpu.memory_space<vmem_shared>> -> memref<10112x128xf32, #tpu.memory_space<vmem_shared>>
        tpu.enqueue_indirect_dma source(%arg18 : memref<64x128xf32, #tpu.memory_space<vmem>>) target(%dma_start3A_112 : memref<10112x128xf32, #tpu.memory_space<vmem_shared>>) offsets(%arg14 : memref<64xi32, #tpu.memory_space<vmem>>) semaphore(%run_scoped3A_109 : memref<!tpu.dma_semaphore, #tpu.memory_space<semaphore_mem>>) {add = true}
        %dma_wait3A_113 = arith.constant 0 : i32
        %dma_wait3A_114 = arith.constant 0 : i32
        %dma_wait3A_115 = tpu.memref_slice %arg21[%dma_wait3A_113, %dma_wait3A_114] : memref<10112x128xf32, #tpu.memory_space<vmem_shared>> -> memref<10112x128xf32, #tpu.memory_space<vmem_shared>>
        tpu.wait_indirect_dma semaphore(%run_scoped3A_109 : memref<!tpu.dma_semaphore, #tpu.memory_space<semaphore_mem>>) src(%arg18 : memref<64x128xf32, #tpu.memory_space<vmem>>) dst(%dma_wait3A_115 : memref<10112x128xf32, #tpu.memory_space<vmem_shared>>)
        tpu.yield
      }) : () -> ()
      %get3A_87 = arith.constant 0 : index
      %get3A_88 = tpu.vector_load %arg14[%get3A_87] {strides = array<i32>} : memref<64xi32, #tpu.memory_space<vmem>>, vector<16xi32>,
      tpu.vector_store_idx %arg20[%get3A_88], %broadcast_in_dim3A_8 {add = true} : memref<10112xf32, #tpu.memory_space<vmem>>[vector<16xi32>], vector<16xf32>,
      %get3A_89 = arith.constant 16 : index
      %get3A_90 = tpu.vector_load %arg14[%get3A_89] {strides = array<i32>} : memref<64xi32, #tpu.memory_space<vmem>>, vector<16xi32>,
      tpu.vector_store_idx %arg20[%get3A_90], %broadcast_in_dim3A_8 {add = true} : memref<10112xf32, #tpu.memory_space<vmem>>[vector<16xi32>], vector<16xf32>,
      %get3A_91 = arith.constant 32 : index
      %get3A_92 = tpu.vector_load %arg14[%get3A_91] {strides = array<i32>} : memref<64xi32, #tpu.memory_space<vmem>>, vector<16xi32>,
      tpu.vector_store_idx %arg20[%get3A_92], %broadcast_in_dim3A_8 {add = true} : memref<10112xf32, #tpu.memory_space<vmem>>[vector<16xi32>], vector<16xf32>,
      %get3A_93 = arith.constant 48 : index
      %get3A_94 = tpu.vector_load %arg14[%get3A_93] {strides = array<i32>} : memref<64xi32, #tpu.memory_space<vmem>>, vector<16xi32>,
      tpu.vector_store_idx %arg20[%get3A_94], %broadcast_in_dim3A_8 {add = true} : memref<10112xf32, #tpu.memory_space<vmem>>[vector<16xi32>], vector<16xf32>,
      %dma_wait3A_95 = arith.constant 0 : i32
      %dma_wait3A_96 = arith.constant 0 : i32
      %dma_wait3A_97 = tpu.memref_slice %arg2[%dma_wait3A_95, %dma_wait3A_96] : memref<10000x128xf32, #tpu.memory_space<hbm>> -> memref<64x128xf32, #tpu.memory_space<hbm>>
      %dma_wait3A_98 = arith.constant 0 : i32
      %dma_wait3A_99 = arith.constant 0 : i32
      %dma_wait3A_100 = tpu.memref_slice %arg2[%dma_wait3A_98, %dma_wait3A_99] : memref<10000x128xf32, #tpu.memory_space<hbm>> -> memref<64x128xf32, #tpu.memory_space<hbm>>
      tpu.wait_dma2 semaphore(%arg25 : memref<!tpu.dma_semaphore, #tpu.memory_space<semaphore_mem>>) src(%dma_wait3A_100 : memref<64x128xf32, #tpu.memory_space<hbm>>) dst(%arg19 : memref<64x128xf32, #tpu.memory_space<vmem>>)
      "tpu.region"() ({
        %run_scoped3A_109 = tpu.sem_alloc : memref<!tpu.dma_semaphore, #tpu.memory_space<semaphore_mem>>
        %dma_start3A_110 = arith.constant 0 : i32
        %dma_start3A_111 = arith.constant 0 : i32
        %dma_start3A_112 = tpu.memref_slice %arg21[%dma_start3A_110, %dma_start3A_111] : memref<10112x128xf32, #tpu.memory_space<vmem_shared>> -> memref<10112x128xf32, #tpu.memory_space<vmem_shared>>
        tpu.enqueue_indirect_dma source(%arg19 : memref<64x128xf32, #tpu.memory_space<vmem>>) target(%dma_start3A_112 : memref<10112x128xf32, #tpu.memory_space<vmem_shared>>) offsets(%arg15 : memref<64xi32, #tpu.memory_space<vmem>>) semaphore(%run_scoped3A_109 : memref<!tpu.dma_semaphore, #tpu.memory_space<semaphore_mem>>) {add = true}
        %dma_wait3A_113 = arith.constant 0 : i32
        %dma_wait3A_114 = arith.constant 0 : i32
        %dma_wait3A_115 = tpu.memref_slice %arg21[%dma_wait3A_113, %dma_wait3A_114] : memref<10112x128xf32, #tpu.memory_space<vmem_shared>> -> memref<10112x128xf32, #tpu.memory_space<vmem_shared>>
        tpu.wait_indirect_dma semaphore(%run_scoped3A_109 : memref<!tpu.dma_semaphore, #tpu.memory_space<semaphore_mem>>) src(%arg19 : memref<64x128xf32, #tpu.memory_space<vmem>>) dst(%dma_wait3A_115 : memref<10112x128xf32, #tpu.memory_space<vmem_shared>>)
        tpu.yield
      }) : () -> ()
      %get3A_101 = arith.constant 0 : index
      %get3A_102 = tpu.vector_load %arg15[%get3A_101] {strides = array<i32>} : memref<64xi32, #tpu.memory_space<vmem>>, vector<16xi32>,
      tpu.vector_store_idx %arg20[%get3A_102], %broadcast_in_dim3A_8 {add = true} : memref<10112xf32, #tpu.memory_space<vmem>>[vector<16xi32>], vector<16xf32>,
      %get3A_103 = arith.constant 16 : index
      %get3A_104 = tpu.vector_load %arg15[%get3A_103] {strides = array<i32>} : memref<64xi32, #tpu.memory_space<vmem>>, vector<16xi32>,
      tpu.vector_store_idx %arg20[%get3A_104], %broadcast_in_dim3A_8 {add = true} : memref<10112xf32, #tpu.memory_space<vmem>>[vector<16xi32>], vector<16xf32>,
      %get3A_105 = arith.constant 32 : index
      %get3A_106 = tpu.vector_load %arg15[%get3A_105] {strides = array<i32>} : memref<64xi32, #tpu.memory_space<vmem>>, vector<16xi32>,
      tpu.vector_store_idx %arg20[%get3A_106], %broadcast_in_dim3A_8 {add = true} : memref<10112xf32, #tpu.memory_space<vmem>>[vector<16xi32>], vector<16xf32>,
      %get3A_107 = arith.constant 48 : index
      %get3A_108 = tpu.vector_load %arg15[%get3A_107] {strides = array<i32>} : memref<64xi32, #tpu.memory_space<vmem>>, vector<16xi32>,
      tpu.vector_store_idx %arg20[%get3A_108], %broadcast_in_dim3A_8 {add = true} : memref<10112xf32, #tpu.memory_space<vmem>>[vector<16xi32>], vector<16xf32>,
    } else {
    }
    %eq3A_14 = arith.constant 1 : i32
    %eq3A_15 = arith.cmpi eq, %arg0, %eq3A_14 : i32
    %convert_element_type3A_16 = arith.extui %eq3A_15 : i1 to i32
    %cond3A_17 = arith.constant 0 : i32
    %cond3A_18 = arith.cmpi ne, %convert_element_type3A_16, %cond3A_17 : i32
    scf.if %cond3A_18 {
      %mul3A_25 = arith.constant 4096 : i32
      %mul3A_26 = arith.muli %arg1, %mul3A_25 : i32
      %add3A_27 = arith.constant 262144 : i32
      %add3A_28 = arith.addi %add3A_27, %mul3A_26 : i32
      %add3A_29 = arith.constant 0 : i32
      %add3A_30 = arith.addi %add3A_28, %add3A_29 : i32
      %multiple_of3A = tpu.assume_multiple %add3A_30, 64 : i32
      "tpu.region"() ({
        %run_scoped3A_111 = tpu.sem_alloc : memref<!tpu.dma_semaphore, #tpu.memory_space<semaphore_mem>>
        %dma_start3A_112 = tpu.memref_slice %arg3[%multiple_of3A] : memref<327680xi32, #tpu.memory_space<hbm>> -> memref<64xi32, #tpu.memory_space<hbm>>
        %dma_start3A_113 = tpu.memref_slice %arg3[%multiple_of3A] : memref<327680xi32, #tpu.memory_space<hbm>> -> memref<64xi32, #tpu.memory_space<hbm>>
        tpu.enqueue_dma source(%dma_start3A_113 : memref<64xi32, #tpu.memory_space<hbm>>) target(%arg8 : memref<64xi32, #tpu.memory_space<vmem>>) target_semaphore(%run_scoped3A_111 : memref<!tpu.dma_semaphore, #tpu.memory_space<semaphore_mem>>)
        %dma_wait3A_114 = tpu.memref_slice %arg3[%multiple_of3A] : memref<327680xi32, #tpu.memory_space<hbm>> -> memref<64xi32, #tpu.memory_space<hbm>>
        %dma_wait3A_115 = tpu.memref_slice %arg3[%multiple_of3A] : memref<327680xi32, #tpu.memory_space<hbm>> -> memref<64xi32, #tpu.memory_space<hbm>>
        tpu.wait_dma2 semaphore(%run_scoped3A_111 : memref<!tpu.dma_semaphore, #tpu.memory_space<semaphore_mem>>) src(%dma_wait3A_115 : memref<64xi32, #tpu.memory_space<hbm>>) dst(%arg8 : memref<64xi32, #tpu.memory_space<vmem>>)
        tpu.yield
      }) : () -> ()
      "tpu.region"() ({
        %run_scoped3A_111 = tpu.sem_alloc : memref<!tpu.dma_semaphore, #tpu.memory_space<semaphore_mem>>
        %dma_start3A_112 = tpu.memref_slice %arg4[%multiple_of3A] : memref<327680xi32, #tpu.memory_space<hbm>> -> memref<64xi32, #tpu.memory_space<hbm>>
        %dma_start3A_113 = tpu.memref_slice %arg4[%multiple_of3A] : memref<327680xi32, #tpu.memory_space<hbm>> -> memref<64xi32, #tpu.memory_space<hbm>>
        tpu.enqueue_dma source(%dma_start3A_113 : memref<64xi32, #tpu.memory_space<hbm>>) target(%arg12 : memref<64xi32, #tpu.memory_space<vmem>>) target_semaphore(%run_scoped3A_111 : memref<!tpu.dma_semaphore, #tpu.memory_space<semaphore_mem>>)
        %dma_wait3A_114 = tpu.memref_slice %arg4[%multiple_of3A] : memref<327680xi32, #tpu.memory_space<hbm>> -> memref<64xi32, #tpu.memory_space<hbm>>
        %dma_wait3A_115 = tpu.memref_slice %arg4[%multiple_of3A] : memref<327680xi32, #tpu.memory_space<hbm>> -> memref<64xi32, #tpu.memory_space<hbm>>
        tpu.wait_dma2 semaphore(%run_scoped3A_111 : memref<!tpu.dma_semaphore, #tpu.memory_space<semaphore_mem>>) src(%dma_wait3A_115 : memref<64xi32, #tpu.memory_space<hbm>>) dst(%arg12 : memref<64xi32, #tpu.memory_space<vmem>>)
        tpu.yield
      }) : () -> ()
      %dma_start3A = arith.constant 0 : i32
      %dma_start3A_31 = arith.constant 0 : i32
      %dma_start3A_32 = tpu.memref_slice %arg2[%dma_start3A, %dma_start3A_31] : memref<10000x128xf32, #tpu.memory_space<hbm>> -> memref<10000x128xf32, #tpu.memory_space<hbm>>
      tpu.enqueue_indirect_dma source(%dma_start3A_32 : memref<10000x128xf32, #tpu.memory_space<hbm>>) target(%arg16 : memref<64x128xf32, #tpu.memory_space<vmem>>) offsets(%arg8 : memref<64xi32, #tpu.memory_space<vmem>>) semaphore(%arg22 : memref<!tpu.dma_semaphore, #tpu.memory_space<semaphore_mem>>)
      %add3A_33 = arith.constant 64 : i32
      %add3A_34 = arith.addi %add3A_28, %add3A_33 : i32
      %multiple_of3A_35 = tpu.assume_multiple %add3A_34, 64 : i32
      "tpu.region"() ({
        %run_scoped3A_111 = tpu.sem_alloc : memref<!tpu.dma_semaphore, #tpu.memory_space<semaphore_mem>>
        %dma_start3A_112 = tpu.memref_slice %arg3[%multiple_of3A_35] : memref<327680xi32, #tpu.memory_space<hbm>> -> memref<64xi32, #tpu.memory_space<hbm>>
        %dma_start3A_113 = tpu.memref_slice %arg3[%multiple_of3A_35] : memref<327680xi32, #tpu.memory_space<hbm>> -> memref<64xi32, #tpu.memory_space<hbm>>
        tpu.enqueue_dma source(%dma_start3A_113 : memref<64xi32, #tpu.memory_space<hbm>>) target(%arg9 : memref<64xi32, #tpu.memory_space<vmem>>) target_semaphore(%run_scoped3A_111 : memref<!tpu.dma_semaphore, #tpu.memory_space<semaphore_mem>>)
        %dma_wait3A_114 = tpu.memref_slice %arg3[%multiple_of3A_35] : memref<327680xi32, #tpu.memory_space<hbm>> -> memref<64xi32, #tpu.memory_space<hbm>>
        %dma_wait3A_115 = tpu.memref_slice %arg3[%multiple_of3A_35] : memref<327680xi32, #tpu.memory_space<hbm>> -> memref<64xi32, #tpu.memory_space<hbm>>
        tpu.wait_dma2 semaphore(%run_scoped3A_111 : memref<!tpu.dma_semaphore, #tpu.memory_space<semaphore_mem>>) src(%dma_wait3A_115 : memref<64xi32, #tpu.memory_space<hbm>>) dst(%arg9 : memref<64xi32, #tpu.memory_space<vmem>>)
        tpu.yield
      }) : () -> ()
      "tpu.region"() ({
        %run_scoped3A_111 = tpu.sem_alloc : memref<!tpu.dma_semaphore, #tpu.memory_space<semaphore_mem>>
        %dma_start3A_112 = tpu.memref_slice %arg4[%multiple_of3A_35] : memref<327680xi32, #tpu.memory_space<hbm>> -> memref<64xi32, #tpu.memory_space<hbm>>
        %dma_start3A_113 = tpu.memref_slice %arg4[%multiple_of3A_35] : memref<327680xi32, #tpu.memory_space<hbm>> -> memref<64xi32, #tpu.memory_space<hbm>>
        tpu.enqueue_dma source(%dma_start3A_113 : memref<64xi32, #tpu.memory_space<hbm>>) target(%arg13 : memref<64xi32, #tpu.memory_space<vmem>>) target_semaphore(%run_scoped3A_111 : memref<!tpu.dma_semaphore, #tpu.memory_space<semaphore_mem>>)
        %dma_wait3A_114 = tpu.memref_slice %arg4[%multiple_of3A_35] : memref<327680xi32, #tpu.memory_space<hbm>> -> memref<64xi32, #tpu.memory_space<hbm>>
        %dma_wait3A_115 = tpu.memref_slice %arg4[%multiple_of3A_35] : memref<327680xi32, #tpu.memory_space<hbm>> -> memref<64xi32, #tpu.memory_space<hbm>>
        tpu.wait_dma2 semaphore(%run_scoped3A_111 : memref<!tpu.dma_semaphore, #tpu.memory_space<semaphore_mem>>) src(%dma_wait3A_115 : memref<64xi32, #tpu.memory_space<hbm>>) dst(%arg13 : memref<64xi32, #tpu.memory_space<vmem>>)
        tpu.yield
      }) : () -> ()
      %dma_start3A_36 = arith.constant 0 : i32
      %dma_start3A_37 = arith.constant 0 : i32
      %dma_start3A_38 = tpu.memref_slice %arg2[%dma_start3A_36, %dma_start3A_37] : memref<10000x128xf32, #tpu.memory_space<hbm>> -> memref<10000x128xf32, #tpu.memory_space<hbm>>
      tpu.enqueue_indirect_dma source(%dma_start3A_38 : memref<10000x128xf32, #tpu.memory_space<hbm>>) target(%arg17 : memref<64x128xf32, #tpu.memory_space<vmem>>) offsets(%arg9 : memref<64xi32, #tpu.memory_space<vmem>>) semaphore(%arg23 : memref<!tpu.dma_semaphore, #tpu.memory_space<semaphore_mem>>)
      %add3A_39 = arith.constant 128 : i32
      %add3A_40 = arith.addi %add3A_28, %add3A_39 : i32
      %multiple_of3A_41 = tpu.assume_multiple %add3A_40, 64 : i32
      "tpu.region"() ({
        %run_scoped3A_111 = tpu.sem_alloc : memref<!tpu.dma_semaphore, #tpu.memory_space<semaphore_mem>>
        %dma_start3A_112 = tpu.memref_slice %arg3[%multiple_of3A_41] : memref<327680xi32, #tpu.memory_space<hbm>> -> memref<64xi32, #tpu.memory_space<hbm>>
        %dma_start3A_113 = tpu.memref_slice %arg3[%multiple_of3A_41] : memref<327680xi32, #tpu.memory_space<hbm>> -> memref<64xi32, #tpu.memory_space<hbm>>
        tpu.enqueue_dma source(%dma_start3A_113 : memref<64xi32, #tpu.memory_space<hbm>>) target(%arg10 : memref<64xi32, #tpu.memory_space<vmem>>) target_semaphore(%run_scoped3A_111 : memref<!tpu.dma_semaphore, #tpu.memory_space<semaphore_mem>>)
        %dma_wait3A_114 = tpu.memref_slice %arg3[%multiple_of3A_41] : memref<327680xi32, #tpu.memory_space<hbm>> -> memref<64xi32, #tpu.memory_space<hbm>>
        %dma_wait3A_115 = tpu.memref_slice %arg3[%multiple_of3A_41] : memref<327680xi32, #tpu.memory_space<hbm>> -> memref<64xi32, #tpu.memory_space<hbm>>
        tpu.wait_dma2 semaphore(%run_scoped3A_111 : memref<!tpu.dma_semaphore, #tpu.memory_space<semaphore_mem>>) src(%dma_wait3A_115 : memref<64xi32, #tpu.memory_space<hbm>>) dst(%arg10 : memref<64xi32, #tpu.memory_space<vmem>>)
        tpu.yield
      }) : () -> ()
      "tpu.region"() ({
        %run_scoped3A_111 = tpu.sem_alloc : memref<!tpu.dma_semaphore, #tpu.memory_space<semaphore_mem>>
        %dma_start3A_112 = tpu.memref_slice %arg4[%multiple_of3A_41] : memref<327680xi32, #tpu.memory_space<hbm>> -> memref<64xi32, #tpu.memory_space<hbm>>
        %dma_start3A_113 = tpu.memref_slice %arg4[%multiple_of3A_41] : memref<327680xi32, #tpu.memory_space<hbm>> -> memref<64xi32, #tpu.memory_space<hbm>>
        tpu.enqueue_dma source(%dma_start3A_113 : memref<64xi32, #tpu.memory_space<hbm>>) target(%arg14 : memref<64xi32, #tpu.memory_space<vmem>>) target_semaphore(%run_scoped3A_111 : memref<!tpu.dma_semaphore, #tpu.memory_space<semaphore_mem>>)
        %dma_wait3A_114 = tpu.memref_slice %arg4[%multiple_of3A_41] : memref<327680xi32, #tpu.memory_space<hbm>> -> memref<64xi32, #tpu.memory_space<hbm>>
        %dma_wait3A_115 = tpu.memref_slice %arg4[%multiple_of3A_41] : memref<327680xi32, #tpu.memory_space<hbm>> -> memref<64xi32, #tpu.memory_space<hbm>>
        tpu.wait_dma2 semaphore(%run_scoped3A_111 : memref<!tpu.dma_semaphore, #tpu.memory_space<semaphore_mem>>) src(%dma_wait3A_115 : memref<64xi32, #tpu.memory_space<hbm>>) dst(%arg14 : memref<64xi32, #tpu.memory_space<vmem>>)
        tpu.yield
      }) : () -> ()
      %dma_start3A_42 = arith.constant 0 : i32
      %dma_start3A_43 = arith.constant 0 : i32
      %dma_start3A_44 = tpu.memref_slice %arg2[%dma_start3A_42, %dma_start3A_43] : memref<10000x128xf32, #tpu.memory_space<hbm>> -> memref<10000x128xf32, #tpu.memory_space<hbm>>
      tpu.enqueue_indirect_dma source(%dma_start3A_44 : memref<10000x128xf32, #tpu.memory_space<hbm>>) target(%arg18 : memref<64x128xf32, #tpu.memory_space<vmem>>) offsets(%arg10 : memref<64xi32, #tpu.memory_space<vmem>>) semaphore(%arg24 : memref<!tpu.dma_semaphore, #tpu.memory_space<semaphore_mem>>)
      %add3A_45 = arith.constant 192 : i32
      %add3A_46 = arith.addi %add3A_28, %add3A_45 : i32
      %multiple_of3A_47 = tpu.assume_multiple %add3A_46, 64 : i32
      "tpu.region"() ({
        %run_scoped3A_111 = tpu.sem_alloc : memref<!tpu.dma_semaphore, #tpu.memory_space<semaphore_mem>>
        %dma_start3A_112 = tpu.memref_slice %arg3[%multiple_of3A_47] : memref<327680xi32, #tpu.memory_space<hbm>> -> memref<64xi32, #tpu.memory_space<hbm>>
        %dma_start3A_113 = tpu.memref_slice %arg3[%multiple_of3A_47] : memref<327680xi32, #tpu.memory_space<hbm>> -> memref<64xi32, #tpu.memory_space<hbm>>
        tpu.enqueue_dma source(%dma_start3A_113 : memref<64xi32, #tpu.memory_space<hbm>>) target(%arg11 : memref<64xi32, #tpu.memory_space<vmem>>) target_semaphore(%run_scoped3A_111 : memref<!tpu.dma_semaphore, #tpu.memory_space<semaphore_mem>>)
        %dma_wait3A_114 = tpu.memref_slice %arg3[%multiple_of3A_47] : memref<327680xi32, #tpu.memory_space<hbm>> -> memref<64xi32, #tpu.memory_space<hbm>>
        %dma_wait3A_115 = tpu.memref_slice %arg3[%multiple_of3A_47] : memref<327680xi32, #tpu.memory_space<hbm>> -> memref<64xi32, #tpu.memory_space<hbm>>
        tpu.wait_dma2 semaphore(%run_scoped3A_111 : memref<!tpu.dma_semaphore, #tpu.memory_space<semaphore_mem>>) src(%dma_wait3A_115 : memref<64xi32, #tpu.memory_space<hbm>>) dst(%arg11 : memref<64xi32, #tpu.memory_space<vmem>>)
        tpu.yield
      }) : () -> ()
      "tpu.region"() ({
        %run_scoped3A_111 = tpu.sem_alloc : memref<!tpu.dma_semaphore, #tpu.memory_space<semaphore_mem>>
        %dma_start3A_112 = tpu.memref_slice %arg4[%multiple_of3A_47] : memref<327680xi32, #tpu.memory_space<hbm>> -> memref<64xi32, #tpu.memory_space<hbm>>
        %dma_start3A_113 = tpu.memref_slice %arg4[%multiple_of3A_47] : memref<327680xi32, #tpu.memory_space<hbm>> -> memref<64xi32, #tpu.memory_space<hbm>>
        tpu.enqueue_dma source(%dma_start3A_113 : memref<64xi32, #tpu.memory_space<hbm>>) target(%arg15 : memref<64xi32, #tpu.memory_space<vmem>>) target_semaphore(%run_scoped3A_111 : memref<!tpu.dma_semaphore, #tpu.memory_space<semaphore_mem>>)
        %dma_wait3A_114 = tpu.memref_slice %arg4[%multiple_of3A_47] : memref<327680xi32, #tpu.memory_space<hbm>> -> memref<64xi32, #tpu.memory_space<hbm>>
        %dma_wait3A_115 = tpu.memref_slice %arg4[%multiple_of3A_47] : memref<327680xi32, #tpu.memory_space<hbm>> -> memref<64xi32, #tpu.memory_space<hbm>>
        tpu.wait_dma2 semaphore(%run_scoped3A_111 : memref<!tpu.dma_semaphore, #tpu.memory_space<semaphore_mem>>) src(%dma_wait3A_115 : memref<64xi32, #tpu.memory_space<hbm>>) dst(%arg15 : memref<64xi32, #tpu.memory_space<vmem>>)
        tpu.yield
      }) : () -> ()
      %dma_start3A_48 = arith.constant 0 : i32
      %dma_start3A_49 = arith.constant 0 : i32
      %dma_start3A_50 = tpu.memref_slice %arg2[%dma_start3A_48, %dma_start3A_49] : memref<10000x128xf32, #tpu.memory_space<hbm>> -> memref<10000x128xf32, #tpu.memory_space<hbm>>
      tpu.enqueue_indirect_dma source(%dma_start3A_50 : memref<10000x128xf32, #tpu.memory_space<hbm>>) target(%arg19 : memref<64x128xf32, #tpu.memory_space<vmem>>) offsets(%arg11 : memref<64xi32, #tpu.memory_space<vmem>>) semaphore(%arg25 : memref<!tpu.dma_semaphore, #tpu.memory_space<semaphore_mem>>)
      %scan3A_51 = arith.constant 0 : i32
      %scan3A_52 = arith.constant 0 : i32
      %scan3A_53 = arith.constant 15 : i32
      %scan3A_54 = arith.addi %scan3A_52, %scan3A_53 : i32
      %scan3A_55 = arith.constant 1 : i32
      scf.for %scan3A_111 = %scan3A_52 to %scan3A_54 step %scan3A_55  : i32 {
        %mul3A_112 = arith.constant 4 : i32
        %mul3A_113 = arith.muli %scan3A_111, %mul3A_112 : i32
        %dma_wait3A_114 = arith.constant 0 : i32
        %dma_wait3A_115 = arith.constant 0 : i32
        %dma_wait3A_116 = tpu.memref_slice %arg2[%dma_wait3A_114, %dma_wait3A_115] : memref<10000x128xf32, #tpu.memory_space<hbm>> -> memref<64x128xf32, #tpu.memory_space<hbm>>
        %dma_wait3A_117 = arith.constant 0 : i32
        %dma_wait3A_118 = arith.constant 0 : i32
        %dma_wait3A_119 = tpu.memref_slice %arg2[%dma_wait3A_117, %dma_wait3A_118] : memref<10000x128xf32, #tpu.memory_space<hbm>> -> memref<64x128xf32, #tpu.memory_space<hbm>>
        tpu.wait_dma2 semaphore(%arg22 : memref<!tpu.dma_semaphore, #tpu.memory_space<semaphore_mem>>) src(%dma_wait3A_119 : memref<64x128xf32, #tpu.memory_space<hbm>>) dst(%arg16 : memref<64x128xf32, #tpu.memory_space<vmem>>)
        "tpu.region"() ({
          %run_scoped3A_214 = tpu.sem_alloc : memref<!tpu.dma_semaphore, #tpu.memory_space<semaphore_mem>>
          %dma_start3A_215 = arith.constant 0 : i32
          %dma_start3A_216 = arith.constant 0 : i32
          %dma_start3A_217 = tpu.memref_slice %arg21[%dma_start3A_215, %dma_start3A_216] : memref<10112x128xf32, #tpu.memory_space<vmem_shared>> -> memref<10112x128xf32, #tpu.memory_space<vmem_shared>>
          tpu.enqueue_indirect_dma source(%arg16 : memref<64x128xf32, #tpu.memory_space<vmem>>) target(%dma_start3A_217 : memref<10112x128xf32, #tpu.memory_space<vmem_shared>>) offsets(%arg12 : memref<64xi32, #tpu.memory_space<vmem>>) semaphore(%run_scoped3A_214 : memref<!tpu.dma_semaphore, #tpu.memory_space<semaphore_mem>>) {add = true}
          %dma_wait3A_218 = arith.constant 0 : i32
          %dma_wait3A_219 = arith.constant 0 : i32
          %dma_wait3A_220 = tpu.memref_slice %arg21[%dma_wait3A_218, %dma_wait3A_219] : memref<10112x128xf32, #tpu.memory_space<vmem_shared>> -> memref<10112x128xf32, #tpu.memory_space<vmem_shared>>
          tpu.wait_indirect_dma semaphore(%run_scoped3A_214 : memref<!tpu.dma_semaphore, #tpu.memory_space<semaphore_mem>>) src(%arg16 : memref<64x128xf32, #tpu.memory_space<vmem>>) dst(%dma_wait3A_220 : memref<10112x128xf32, #tpu.memory_space<vmem_shared>>)
          tpu.yield
        }) : () -> ()
        %get3A_120 = arith.constant 0 : index
        %get3A_121 = tpu.vector_load %arg12[%get3A_120] {strides = array<i32>} : memref<64xi32, #tpu.memory_space<vmem>>, vector<16xi32>,
        tpu.vector_store_idx %arg20[%get3A_121], %broadcast_in_dim3A_8 {add = true} : memref<10112xf32, #tpu.memory_space<vmem>>[vector<16xi32>], vector<16xf32>,
        %get3A_122 = arith.constant 16 : index
        %get3A_123 = tpu.vector_load %arg12[%get3A_122] {strides = array<i32>} : memref<64xi32, #tpu.memory_space<vmem>>, vector<16xi32>,
        tpu.vector_store_idx %arg20[%get3A_123], %broadcast_in_dim3A_8 {add = true} : memref<10112xf32, #tpu.memory_space<vmem>>[vector<16xi32>], vector<16xf32>,
        %get3A_124 = arith.constant 32 : index
        %get3A_125 = tpu.vector_load %arg12[%get3A_124] {strides = array<i32>} : memref<64xi32, #tpu.memory_space<vmem>>, vector<16xi32>,
        tpu.vector_store_idx %arg20[%get3A_125], %broadcast_in_dim3A_8 {add = true} : memref<10112xf32, #tpu.memory_space<vmem>>[vector<16xi32>], vector<16xf32>,
        %get3A_126 = arith.constant 48 : index
        %get3A_127 = tpu.vector_load %arg12[%get3A_126] {strides = array<i32>} : memref<64xi32, #tpu.memory_space<vmem>>, vector<16xi32>,
        tpu.vector_store_idx %arg20[%get3A_127], %broadcast_in_dim3A_8 {add = true} : memref<10112xf32, #tpu.memory_space<vmem>>[vector<16xi32>], vector<16xf32>,
        %add3A_128 = arith.constant 0 : i32
        %add3A_129 = arith.addi %mul3A_113, %add3A_128 : i32
        %add3A_130 = arith.constant 4 : i32
        %add3A_131 = arith.addi %add3A_129, %add3A_130 : i32
        %mul3A_132 = arith.constant 64 : i32
        %mul3A_133 = arith.muli %add3A_131, %mul3A_132 : i32
        %add3A_134 = arith.addi %add3A_28, %mul3A_133 : i32
        %multiple_of3A_135 = tpu.assume_multiple %add3A_134, 64 : i32
        "tpu.region"() ({
          %run_scoped3A_214 = tpu.sem_alloc : memref<!tpu.dma_semaphore, #tpu.memory_space<semaphore_mem>>
          %dma_start3A_215 = tpu.memref_slice %arg3[%multiple_of3A_135] : memref<327680xi32, #tpu.memory_space<hbm>> -> memref<64xi32, #tpu.memory_space<hbm>>
          %dma_start3A_216 = tpu.memref_slice %arg3[%multiple_of3A_135] : memref<327680xi32, #tpu.memory_space<hbm>> -> memref<64xi32, #tpu.memory_space<hbm>>
          tpu.enqueue_dma source(%dma_start3A_216 : memref<64xi32, #tpu.memory_space<hbm>>) target(%arg8 : memref<64xi32, #tpu.memory_space<vmem>>) target_semaphore(%run_scoped3A_214 : memref<!tpu.dma_semaphore, #tpu.memory_space<semaphore_mem>>)
          %dma_wait3A_217 = tpu.memref_slice %arg3[%multiple_of3A_135] : memref<327680xi32, #tpu.memory_space<hbm>> -> memref<64xi32, #tpu.memory_space<hbm>>
          %dma_wait3A_218 = tpu.memref_slice %arg3[%multiple_of3A_135] : memref<327680xi32, #tpu.memory_space<hbm>> -> memref<64xi32, #tpu.memory_space<hbm>>
          tpu.wait_dma2 semaphore(%run_scoped3A_214 : memref<!tpu.dma_semaphore, #tpu.memory_space<semaphore_mem>>) src(%dma_wait3A_218 : memref<64xi32, #tpu.memory_space<hbm>>) dst(%arg8 : memref<64xi32, #tpu.memory_space<vmem>>)
          tpu.yield
        }) : () -> ()
        "tpu.region"() ({
          %run_scoped3A_214 = tpu.sem_alloc : memref<!tpu.dma_semaphore, #tpu.memory_space<semaphore_mem>>
          %dma_start3A_215 = tpu.memref_slice %arg4[%multiple_of3A_135] : memref<327680xi32, #tpu.memory_space<hbm>> -> memref<64xi32, #tpu.memory_space<hbm>>
          %dma_start3A_216 = tpu.memref_slice %arg4[%multiple_of3A_135] : memref<327680xi32, #tpu.memory_space<hbm>> -> memref<64xi32, #tpu.memory_space<hbm>>
          tpu.enqueue_dma source(%dma_start3A_216 : memref<64xi32, #tpu.memory_space<hbm>>) target(%arg12 : memref<64xi32, #tpu.memory_space<vmem>>) target_semaphore(%run_scoped3A_214 : memref<!tpu.dma_semaphore, #tpu.memory_space<semaphore_mem>>)
          %dma_wait3A_217 = tpu.memref_slice %arg4[%multiple_of3A_135] : memref<327680xi32, #tpu.memory_space<hbm>> -> memref<64xi32, #tpu.memory_space<hbm>>
          %dma_wait3A_218 = tpu.memref_slice %arg4[%multiple_of3A_135] : memref<327680xi32, #tpu.memory_space<hbm>> -> memref<64xi32, #tpu.memory_space<hbm>>
          tpu.wait_dma2 semaphore(%run_scoped3A_214 : memref<!tpu.dma_semaphore, #tpu.memory_space<semaphore_mem>>) src(%dma_wait3A_218 : memref<64xi32, #tpu.memory_space<hbm>>) dst(%arg12 : memref<64xi32, #tpu.memory_space<vmem>>)
          tpu.yield
        }) : () -> ()
        %dma_start3A_136 = arith.constant 0 : i32
        %dma_start3A_137 = arith.constant 0 : i32
        %dma_start3A_138 = tpu.memref_slice %arg2[%dma_start3A_136, %dma_start3A_137] : memref<10000x128xf32, #tpu.memory_space<hbm>> -> memref<10000x128xf32, #tpu.memory_space<hbm>>
        tpu.enqueue_indirect_dma source(%dma_start3A_138 : memref<10000x128xf32, #tpu.memory_space<hbm>>) target(%arg16 : memref<64x128xf32, #tpu.memory_space<vmem>>) offsets(%arg8 : memref<64xi32, #tpu.memory_space<vmem>>) semaphore(%arg22 : memref<!tpu.dma_semaphore, #tpu.memory_space<semaphore_mem>>)
        %dma_wait3A_139 = arith.constant 0 : i32
        %dma_wait3A_140 = arith.constant 0 : i32
        %dma_wait3A_141 = tpu.memref_slice %arg2[%dma_wait3A_139, %dma_wait3A_140] : memref<10000x128xf32, #tpu.memory_space<hbm>> -> memref<64x128xf32, #tpu.memory_space<hbm>>
        %dma_wait3A_142 = arith.constant 0 : i32
        %dma_wait3A_143 = arith.constant 0 : i32
        %dma_wait3A_144 = tpu.memref_slice %arg2[%dma_wait3A_142, %dma_wait3A_143] : memref<10000x128xf32, #tpu.memory_space<hbm>> -> memref<64x128xf32, #tpu.memory_space<hbm>>
        tpu.wait_dma2 semaphore(%arg23 : memref<!tpu.dma_semaphore, #tpu.memory_space<semaphore_mem>>) src(%dma_wait3A_144 : memref<64x128xf32, #tpu.memory_space<hbm>>) dst(%arg17 : memref<64x128xf32, #tpu.memory_space<vmem>>)
        "tpu.region"() ({
          %run_scoped3A_214 = tpu.sem_alloc : memref<!tpu.dma_semaphore, #tpu.memory_space<semaphore_mem>>
          %dma_start3A_215 = arith.constant 0 : i32
          %dma_start3A_216 = arith.constant 0 : i32
          %dma_start3A_217 = tpu.memref_slice %arg21[%dma_start3A_215, %dma_start3A_216] : memref<10112x128xf32, #tpu.memory_space<vmem_shared>> -> memref<10112x128xf32, #tpu.memory_space<vmem_shared>>
          tpu.enqueue_indirect_dma source(%arg17 : memref<64x128xf32, #tpu.memory_space<vmem>>) target(%dma_start3A_217 : memref<10112x128xf32, #tpu.memory_space<vmem_shared>>) offsets(%arg13 : memref<64xi32, #tpu.memory_space<vmem>>) semaphore(%run_scoped3A_214 : memref<!tpu.dma_semaphore, #tpu.memory_space<semaphore_mem>>) {add = true}
          %dma_wait3A_218 = arith.constant 0 : i32
          %dma_wait3A_219 = arith.constant 0 : i32
          %dma_wait3A_220 = tpu.memref_slice %arg21[%dma_wait3A_218, %dma_wait3A_219] : memref<10112x128xf32, #tpu.memory_space<vmem_shared>> -> memref<10112x128xf32, #tpu.memory_space<vmem_shared>>
          tpu.wait_indirect_dma semaphore(%run_scoped3A_214 : memref<!tpu.dma_semaphore, #tpu.memory_space<semaphore_mem>>) src(%arg17 : memref<64x128xf32, #tpu.memory_space<vmem>>) dst(%dma_wait3A_220 : memref<10112x128xf32, #tpu.memory_space<vmem_shared>>)
          tpu.yield
        }) : () -> ()
        %get3A_145 = arith.constant 0 : index
        %get3A_146 = tpu.vector_load %arg13[%get3A_145] {strides = array<i32>} : memref<64xi32, #tpu.memory_space<vmem>>, vector<16xi32>,
        tpu.vector_store_idx %arg20[%get3A_146], %broadcast_in_dim3A_8 {add = true} : memref<10112xf32, #tpu.memory_space<vmem>>[vector<16xi32>], vector<16xf32>,
        %get3A_147 = arith.constant 16 : index
        %get3A_148 = tpu.vector_load %arg13[%get3A_147] {strides = array<i32>} : memref<64xi32, #tpu.memory_space<vmem>>, vector<16xi32>,
        tpu.vector_store_idx %arg20[%get3A_148], %broadcast_in_dim3A_8 {add = true} : memref<10112xf32, #tpu.memory_space<vmem>>[vector<16xi32>], vector<16xf32>,
        %get3A_149 = arith.constant 32 : index
        %get3A_150 = tpu.vector_load %arg13[%get3A_149] {strides = array<i32>} : memref<64xi32, #tpu.memory_space<vmem>>, vector<16xi32>,
        tpu.vector_store_idx %arg20[%get3A_150], %broadcast_in_dim3A_8 {add = true} : memref<10112xf32, #tpu.memory_space<vmem>>[vector<16xi32>], vector<16xf32>,
        %get3A_151 = arith.constant 48 : index
        %get3A_152 = tpu.vector_load %arg13[%get3A_151] {strides = array<i32>} : memref<64xi32, #tpu.memory_space<vmem>>, vector<16xi32>,
        tpu.vector_store_idx %arg20[%get3A_152], %broadcast_in_dim3A_8 {add = true} : memref<10112xf32, #tpu.memory_space<vmem>>[vector<16xi32>], vector<16xf32>,
        %add3A_153 = arith.constant 1 : i32
        %add3A_154 = arith.addi %mul3A_113, %add3A_153 : i32
        %add3A_155 = arith.constant 4 : i32
        %add3A_156 = arith.addi %add3A_154, %add3A_155 : i32
        %mul3A_157 = arith.constant 64 : i32
        %mul3A_158 = arith.muli %add3A_156, %mul3A_157 : i32
        %add3A_159 = arith.addi %add3A_28, %mul3A_158 : i32
        %multiple_of3A_160 = tpu.assume_multiple %add3A_159, 64 : i32
        "tpu.region"() ({
          %run_scoped3A_214 = tpu.sem_alloc : memref<!tpu.dma_semaphore, #tpu.memory_space<semaphore_mem>>
          %dma_start3A_215 = tpu.memref_slice %arg3[%multiple_of3A_160] : memref<327680xi32, #tpu.memory_space<hbm>> -> memref<64xi32, #tpu.memory_space<hbm>>
          %dma_start3A_216 = tpu.memref_slice %arg3[%multiple_of3A_160] : memref<327680xi32, #tpu.memory_space<hbm>> -> memref<64xi32, #tpu.memory_space<hbm>>
          tpu.enqueue_dma source(%dma_start3A_216 : memref<64xi32, #tpu.memory_space<hbm>>) target(%arg9 : memref<64xi32, #tpu.memory_space<vmem>>) target_semaphore(%run_scoped3A_214 : memref<!tpu.dma_semaphore, #tpu.memory_space<semaphore_mem>>)
          %dma_wait3A_217 = tpu.memref_slice %arg3[%multiple_of3A_160] : memref<327680xi32, #tpu.memory_space<hbm>> -> memref<64xi32, #tpu.memory_space<hbm>>
          %dma_wait3A_218 = tpu.memref_slice %arg3[%multiple_of3A_160] : memref<327680xi32, #tpu.memory_space<hbm>> -> memref<64xi32, #tpu.memory_space<hbm>>
          tpu.wait_dma2 semaphore(%run_scoped3A_214 : memref<!tpu.dma_semaphore, #tpu.memory_space<semaphore_mem>>) src(%dma_wait3A_218 : memref<64xi32, #tpu.memory_space<hbm>>) dst(%arg9 : memref<64xi32, #tpu.memory_space<vmem>>)
          tpu.yield
        }) : () -> ()
        "tpu.region"() ({
          %run_scoped3A_214 = tpu.sem_alloc : memref<!tpu.dma_semaphore, #tpu.memory_space<semaphore_mem>>
          %dma_start3A_215 = tpu.memref_slice %arg4[%multiple_of3A_160] : memref<327680xi32, #tpu.memory_space<hbm>> -> memref<64xi32, #tpu.memory_space<hbm>>
          %dma_start3A_216 = tpu.memref_slice %arg4[%multiple_of3A_160] : memref<327680xi32, #tpu.memory_space<hbm>> -> memref<64xi32, #tpu.memory_space<hbm>>
          tpu.enqueue_dma source(%dma_start3A_216 : memref<64xi32, #tpu.memory_space<hbm>>) target(%arg13 : memref<64xi32, #tpu.memory_space<vmem>>) target_semaphore(%run_scoped3A_214 : memref<!tpu.dma_semaphore, #tpu.memory_space<semaphore_mem>>)
          %dma_wait3A_217 = tpu.memref_slice %arg4[%multiple_of3A_160] : memref<327680xi32, #tpu.memory_space<hbm>> -> memref<64xi32, #tpu.memory_space<hbm>>
          %dma_wait3A_218 = tpu.memref_slice %arg4[%multiple_of3A_160] : memref<327680xi32, #tpu.memory_space<hbm>> -> memref<64xi32, #tpu.memory_space<hbm>>
          tpu.wait_dma2 semaphore(%run_scoped3A_214 : memref<!tpu.dma_semaphore, #tpu.memory_space<semaphore_mem>>) src(%dma_wait3A_218 : memref<64xi32, #tpu.memory_space<hbm>>) dst(%arg13 : memref<64xi32, #tpu.memory_space<vmem>>)
          tpu.yield
        }) : () -> ()
        %dma_start3A_161 = arith.constant 0 : i32
        %dma_start3A_162 = arith.constant 0 : i32
        %dma_start3A_163 = tpu.memref_slice %arg2[%dma_start3A_161, %dma_start3A_162] : memref<10000x128xf32, #tpu.memory_space<hbm>> -> memref<10000x128xf32, #tpu.memory_space<hbm>>
        tpu.enqueue_indirect_dma source(%dma_start3A_163 : memref<10000x128xf32, #tpu.memory_space<hbm>>) target(%arg17 : memref<64x128xf32, #tpu.memory_space<vmem>>) offsets(%arg9 : memref<64xi32, #tpu.memory_space<vmem>>) semaphore(%arg23 : memref<!tpu.dma_semaphore, #tpu.memory_space<semaphore_mem>>)
        %dma_wait3A_164 = arith.constant 0 : i32
        %dma_wait3A_165 = arith.constant 0 : i32
        %dma_wait3A_166 = tpu.memref_slice %arg2[%dma_wait3A_164, %dma_wait3A_165] : memref<10000x128xf32, #tpu.memory_space<hbm>> -> memref<64x128xf32, #tpu.memory_space<hbm>>
        %dma_wait3A_167 = arith.constant 0 : i32
        %dma_wait3A_168 = arith.constant 0 : i32
        %dma_wait3A_169 = tpu.memref_slice %arg2[%dma_wait3A_167, %dma_wait3A_168] : memref<10000x128xf32, #tpu.memory_space<hbm>> -> memref<64x128xf32, #tpu.memory_space<hbm>>
        tpu.wait_dma2 semaphore(%arg24 : memref<!tpu.dma_semaphore, #tpu.memory_space<semaphore_mem>>) src(%dma_wait3A_169 : memref<64x128xf32, #tpu.memory_space<hbm>>) dst(%arg18 : memref<64x128xf32, #tpu.memory_space<vmem>>)
        "tpu.region"() ({
          %run_scoped3A_214 = tpu.sem_alloc : memref<!tpu.dma_semaphore, #tpu.memory_space<semaphore_mem>>
          %dma_start3A_215 = arith.constant 0 : i32
          %dma_start3A_216 = arith.constant 0 : i32
          %dma_start3A_217 = tpu.memref_slice %arg21[%dma_start3A_215, %dma_start3A_216] : memref<10112x128xf32, #tpu.memory_space<vmem_shared>> -> memref<10112x128xf32, #tpu.memory_space<vmem_shared>>
          tpu.enqueue_indirect_dma source(%arg18 : memref<64x128xf32, #tpu.memory_space<vmem>>) target(%dma_start3A_217 : memref<10112x128xf32, #tpu.memory_space<vmem_shared>>) offsets(%arg14 : memref<64xi32, #tpu.memory_space<vmem>>) semaphore(%run_scoped3A_214 : memref<!tpu.dma_semaphore, #tpu.memory_space<semaphore_mem>>) {add = true}
          %dma_wait3A_218 = arith.constant 0 : i32
          %dma_wait3A_219 = arith.constant 0 : i32
          %dma_wait3A_220 = tpu.memref_slice %arg21[%dma_wait3A_218, %dma_wait3A_219] : memref<10112x128xf32, #tpu.memory_space<vmem_shared>> -> memref<10112x128xf32, #tpu.memory_space<vmem_shared>>
          tpu.wait_indirect_dma semaphore(%run_scoped3A_214 : memref<!tpu.dma_semaphore, #tpu.memory_space<semaphore_mem>>) src(%arg18 : memref<64x128xf32, #tpu.memory_space<vmem>>) dst(%dma_wait3A_220 : memref<10112x128xf32, #tpu.memory_space<vmem_shared>>)
          tpu.yield
        }) : () -> ()
        %get3A_170 = arith.constant 0 : index
        %get3A_171 = tpu.vector_load %arg14[%get3A_170] {strides = array<i32>} : memref<64xi32, #tpu.memory_space<vmem>>, vector<16xi32>,
        tpu.vector_store_idx %arg20[%get3A_171], %broadcast_in_dim3A_8 {add = true} : memref<10112xf32, #tpu.memory_space<vmem>>[vector<16xi32>], vector<16xf32>,
        %get3A_172 = arith.constant 16 : index
        %get3A_173 = tpu.vector_load %arg14[%get3A_172] {strides = array<i32>} : memref<64xi32, #tpu.memory_space<vmem>>, vector<16xi32>,
        tpu.vector_store_idx %arg20[%get3A_173], %broadcast_in_dim3A_8 {add = true} : memref<10112xf32, #tpu.memory_space<vmem>>[vector<16xi32>], vector<16xf32>,
        %get3A_174 = arith.constant 32 : index
        %get3A_175 = tpu.vector_load %arg14[%get3A_174] {strides = array<i32>} : memref<64xi32, #tpu.memory_space<vmem>>, vector<16xi32>,
        tpu.vector_store_idx %arg20[%get3A_175], %broadcast_in_dim3A_8 {add = true} : memref<10112xf32, #tpu.memory_space<vmem>>[vector<16xi32>], vector<16xf32>,
        %get3A_176 = arith.constant 48 : index
        %get3A_177 = tpu.vector_load %arg14[%get3A_176] {strides = array<i32>} : memref<64xi32, #tpu.memory_space<vmem>>, vector<16xi32>,
        tpu.vector_store_idx %arg20[%get3A_177], %broadcast_in_dim3A_8 {add = true} : memref<10112xf32, #tpu.memory_space<vmem>>[vector<16xi32>], vector<16xf32>,
        %add3A_178 = arith.constant 2 : i32
        %add3A_179 = arith.addi %mul3A_113, %add3A_178 : i32
        %add3A_180 = arith.constant 4 : i32
        %add3A_181 = arith.addi %add3A_179, %add3A_180 : i32
        %mul3A_182 = arith.constant 64 : i32
        %mul3A_183 = arith.muli %add3A_181, %mul3A_182 : i32
        %add3A_184 = arith.addi %add3A_28, %mul3A_183 : i32
        %multiple_of3A_185 = tpu.assume_multiple %add3A_184, 64 : i32
        "tpu.region"() ({
          %run_scoped3A_214 = tpu.sem_alloc : memref<!tpu.dma_semaphore, #tpu.memory_space<semaphore_mem>>
          %dma_start3A_215 = tpu.memref_slice %arg3[%multiple_of3A_185] : memref<327680xi32, #tpu.memory_space<hbm>> -> memref<64xi32, #tpu.memory_space<hbm>>
          %dma_start3A_216 = tpu.memref_slice %arg3[%multiple_of3A_185] : memref<327680xi32, #tpu.memory_space<hbm>> -> memref<64xi32, #tpu.memory_space<hbm>>
          tpu.enqueue_dma source(%dma_start3A_216 : memref<64xi32, #tpu.memory_space<hbm>>) target(%arg10 : memref<64xi32, #tpu.memory_space<vmem>>) target_semaphore(%run_scoped3A_214 : memref<!tpu.dma_semaphore, #tpu.memory_space<semaphore_mem>>)
          %dma_wait3A_217 = tpu.memref_slice %arg3[%multiple_of3A_185] : memref<327680xi32, #tpu.memory_space<hbm>> -> memref<64xi32, #tpu.memory_space<hbm>>
          %dma_wait3A_218 = tpu.memref_slice %arg3[%multiple_of3A_185] : memref<327680xi32, #tpu.memory_space<hbm>> -> memref<64xi32, #tpu.memory_space<hbm>>
          tpu.wait_dma2 semaphore(%run_scoped3A_214 : memref<!tpu.dma_semaphore, #tpu.memory_space<semaphore_mem>>) src(%dma_wait3A_218 : memref<64xi32, #tpu.memory_space<hbm>>) dst(%arg10 : memref<64xi32, #tpu.memory_space<vmem>>)
          tpu.yield
        }) : () -> ()
        "tpu.region"() ({
          %run_scoped3A_214 = tpu.sem_alloc : memref<!tpu.dma_semaphore, #tpu.memory_space<semaphore_mem>>
          %dma_start3A_215 = tpu.memref_slice %arg4[%multiple_of3A_185] : memref<327680xi32, #tpu.memory_space<hbm>> -> memref<64xi32, #tpu.memory_space<hbm>>
          %dma_start3A_216 = tpu.memref_slice %arg4[%multiple_of3A_185] : memref<327680xi32, #tpu.memory_space<hbm>> -> memref<64xi32, #tpu.memory_space<hbm>>
          tpu.enqueue_dma source(%dma_start3A_216 : memref<64xi32, #tpu.memory_space<hbm>>) target(%arg14 : memref<64xi32, #tpu.memory_space<vmem>>) target_semaphore(%run_scoped3A_214 : memref<!tpu.dma_semaphore, #tpu.memory_space<semaphore_mem>>)
          %dma_wait3A_217 = tpu.memref_slice %arg4[%multiple_of3A_185] : memref<327680xi32, #tpu.memory_space<hbm>> -> memref<64xi32, #tpu.memory_space<hbm>>
          %dma_wait3A_218 = tpu.memref_slice %arg4[%multiple_of3A_185] : memref<327680xi32, #tpu.memory_space<hbm>> -> memref<64xi32, #tpu.memory_space<hbm>>
          tpu.wait_dma2 semaphore(%run_scoped3A_214 : memref<!tpu.dma_semaphore, #tpu.memory_space<semaphore_mem>>) src(%dma_wait3A_218 : memref<64xi32, #tpu.memory_space<hbm>>) dst(%arg14 : memref<64xi32, #tpu.memory_space<vmem>>)
          tpu.yield
        }) : () -> ()
        %dma_start3A_186 = arith.constant 0 : i32
        %dma_start3A_187 = arith.constant 0 : i32
        %dma_start3A_188 = tpu.memref_slice %arg2[%dma_start3A_186, %dma_start3A_187] : memref<10000x128xf32, #tpu.memory_space<hbm>> -> memref<10000x128xf32, #tpu.memory_space<hbm>>
        tpu.enqueue_indirect_dma source(%dma_start3A_188 : memref<10000x128xf32, #tpu.memory_space<hbm>>) target(%arg18 : memref<64x128xf32, #tpu.memory_space<vmem>>) offsets(%arg10 : memref<64xi32, #tpu.memory_space<vmem>>) semaphore(%arg24 : memref<!tpu.dma_semaphore, #tpu.memory_space<semaphore_mem>>)
        %dma_wait3A_189 = arith.constant 0 : i32
        %dma_wait3A_190 = arith.constant 0 : i32
        %dma_wait3A_191 = tpu.memref_slice %arg2[%dma_wait3A_189, %dma_wait3A_190] : memref<10000x128xf32, #tpu.memory_space<hbm>> -> memref<64x128xf32, #tpu.memory_space<hbm>>
        %dma_wait3A_192 = arith.constant 0 : i32
        %dma_wait3A_193 = arith.constant 0 : i32
        %dma_wait3A_194 = tpu.memref_slice %arg2[%dma_wait3A_192, %dma_wait3A_193] : memref<10000x128xf32, #tpu.memory_space<hbm>> -> memref<64x128xf32, #tpu.memory_space<hbm>>
        tpu.wait_dma2 semaphore(%arg25 : memref<!tpu.dma_semaphore, #tpu.memory_space<semaphore_mem>>) src(%dma_wait3A_194 : memref<64x128xf32, #tpu.memory_space<hbm>>) dst(%arg19 : memref<64x128xf32, #tpu.memory_space<vmem>>)
        "tpu.region"() ({
          %run_scoped3A_214 = tpu.sem_alloc : memref<!tpu.dma_semaphore, #tpu.memory_space<semaphore_mem>>
          %dma_start3A_215 = arith.constant 0 : i32
          %dma_start3A_216 = arith.constant 0 : i32
          %dma_start3A_217 = tpu.memref_slice %arg21[%dma_start3A_215, %dma_start3A_216] : memref<10112x128xf32, #tpu.memory_space<vmem_shared>> -> memref<10112x128xf32, #tpu.memory_space<vmem_shared>>
          tpu.enqueue_indirect_dma source(%arg19 : memref<64x128xf32, #tpu.memory_space<vmem>>) target(%dma_start3A_217 : memref<10112x128xf32, #tpu.memory_space<vmem_shared>>) offsets(%arg15 : memref<64xi32, #tpu.memory_space<vmem>>) semaphore(%run_scoped3A_214 : memref<!tpu.dma_semaphore, #tpu.memory_space<semaphore_mem>>) {add = true}
          %dma_wait3A_218 = arith.constant 0 : i32
          %dma_wait3A_219 = arith.constant 0 : i32
          %dma_wait3A_220 = tpu.memref_slice %arg21[%dma_wait3A_218, %dma_wait3A_219] : memref<10112x128xf32, #tpu.memory_space<vmem_shared>> -> memref<10112x128xf32, #tpu.memory_space<vmem_shared>>
          tpu.wait_indirect_dma semaphore(%run_scoped3A_214 : memref<!tpu.dma_semaphore, #tpu.memory_space<semaphore_mem>>) src(%arg19 : memref<64x128xf32, #tpu.memory_space<vmem>>) dst(%dma_wait3A_220 : memref<10112x128xf32, #tpu.memory_space<vmem_shared>>)
          tpu.yield
        }) : () -> ()
        %get3A_195 = arith.constant 0 : index
        %get3A_196 = tpu.vector_load %arg15[%get3A_195] {strides = array<i32>} : memref<64xi32, #tpu.memory_space<vmem>>, vector<16xi32>,
        tpu.vector_store_idx %arg20[%get3A_196], %broadcast_in_dim3A_8 {add = true} : memref<10112xf32, #tpu.memory_space<vmem>>[vector<16xi32>], vector<16xf32>,
        %get3A_197 = arith.constant 16 : index
        %get3A_198 = tpu.vector_load %arg15[%get3A_197] {strides = array<i32>} : memref<64xi32, #tpu.memory_space<vmem>>, vector<16xi32>,
        tpu.vector_store_idx %arg20[%get3A_198], %broadcast_in_dim3A_8 {add = true} : memref<10112xf32, #tpu.memory_space<vmem>>[vector<16xi32>], vector<16xf32>,
        %get3A_199 = arith.constant 32 : index
        %get3A_200 = tpu.vector_load %arg15[%get3A_199] {strides = array<i32>} : memref<64xi32, #tpu.memory_space<vmem>>, vector<16xi32>,
        tpu.vector_store_idx %arg20[%get3A_200], %broadcast_in_dim3A_8 {add = true} : memref<10112xf32, #tpu.memory_space<vmem>>[vector<16xi32>], vector<16xf32>,
        %get3A_201 = arith.constant 48 : index
        %get3A_202 = tpu.vector_load %arg15[%get3A_201] {strides = array<i32>} : memref<64xi32, #tpu.memory_space<vmem>>, vector<16xi32>,
        tpu.vector_store_idx %arg20[%get3A_202], %broadcast_in_dim3A_8 {add = true} : memref<10112xf32, #tpu.memory_space<vmem>>[vector<16xi32>], vector<16xf32>,
        %add3A_203 = arith.constant 3 : i32
        %add3A_204 = arith.addi %mul3A_113, %add3A_203 : i32
        %add3A_205 = arith.constant 4 : i32
        %add3A_206 = arith.addi %add3A_204, %add3A_205 : i32
        %mul3A_207 = arith.constant 64 : i32
        %mul3A_208 = arith.muli %add3A_206, %mul3A_207 : i32
        %add3A_209 = arith.addi %add3A_28, %mul3A_208 : i32
        %multiple_of3A_210 = tpu.assume_multiple %add3A_209, 64 : i32
        "tpu.region"() ({
          %run_scoped3A_214 = tpu.sem_alloc : memref<!tpu.dma_semaphore, #tpu.memory_space<semaphore_mem>>
          %dma_start3A_215 = tpu.memref_slice %arg3[%multiple_of3A_210] : memref<327680xi32, #tpu.memory_space<hbm>> -> memref<64xi32, #tpu.memory_space<hbm>>
          %dma_start3A_216 = tpu.memref_slice %arg3[%multiple_of3A_210] : memref<327680xi32, #tpu.memory_space<hbm>> -> memref<64xi32, #tpu.memory_space<hbm>>
          tpu.enqueue_dma source(%dma_start3A_216 : memref<64xi32, #tpu.memory_space<hbm>>) target(%arg11 : memref<64xi32, #tpu.memory_space<vmem>>) target_semaphore(%run_scoped3A_214 : memref<!tpu.dma_semaphore, #tpu.memory_space<semaphore_mem>>)
          %dma_wait3A_217 = tpu.memref_slice %arg3[%multiple_of3A_210] : memref<327680xi32, #tpu.memory_space<hbm>> -> memref<64xi32, #tpu.memory_space<hbm>>
          %dma_wait3A_218 = tpu.memref_slice %arg3[%multiple_of3A_210] : memref<327680xi32, #tpu.memory_space<hbm>> -> memref<64xi32, #tpu.memory_space<hbm>>
          tpu.wait_dma2 semaphore(%run_scoped3A_214 : memref<!tpu.dma_semaphore, #tpu.memory_space<semaphore_mem>>) src(%dma_wait3A_218 : memref<64xi32, #tpu.memory_space<hbm>>) dst(%arg11 : memref<64xi32, #tpu.memory_space<vmem>>)
          tpu.yield
        }) : () -> ()
        "tpu.region"() ({
          %run_scoped3A_214 = tpu.sem_alloc : memref<!tpu.dma_semaphore, #tpu.memory_space<semaphore_mem>>
          %dma_start3A_215 = tpu.memref_slice %arg4[%multiple_of3A_210] : memref<327680xi32, #tpu.memory_space<hbm>> -> memref<64xi32, #tpu.memory_space<hbm>>
          %dma_start3A_216 = tpu.memref_slice %arg4[%multiple_of3A_210] : memref<327680xi32, #tpu.memory_space<hbm>> -> memref<64xi32, #tpu.memory_space<hbm>>
          tpu.enqueue_dma source(%dma_start3A_216 : memref<64xi32, #tpu.memory_space<hbm>>) target(%arg15 : memref<64xi32, #tpu.memory_space<vmem>>) target_semaphore(%run_scoped3A_214 : memref<!tpu.dma_semaphore, #tpu.memory_space<semaphore_mem>>)
          %dma_wait3A_217 = tpu.memref_slice %arg4[%multiple_of3A_210] : memref<327680xi32, #tpu.memory_space<hbm>> -> memref<64xi32, #tpu.memory_space<hbm>>
          %dma_wait3A_218 = tpu.memref_slice %arg4[%multiple_of3A_210] : memref<327680xi32, #tpu.memory_space<hbm>> -> memref<64xi32, #tpu.memory_space<hbm>>
          tpu.wait_dma2 semaphore(%run_scoped3A_214 : memref<!tpu.dma_semaphore, #tpu.memory_space<semaphore_mem>>) src(%dma_wait3A_218 : memref<64xi32, #tpu.memory_space<hbm>>) dst(%arg15 : memref<64xi32, #tpu.memory_space<vmem>>)
          tpu.yield
        }) : () -> ()
        %dma_start3A_211 = arith.constant 0 : i32
        %dma_start3A_212 = arith.constant 0 : i32
        %dma_start3A_213 = tpu.memref_slice %arg2[%dma_start3A_211, %dma_start3A_212] : memref<10000x128xf32, #tpu.memory_space<hbm>> -> memref<10000x128xf32, #tpu.memory_space<hbm>>
        tpu.enqueue_indirect_dma source(%dma_start3A_213 : memref<10000x128xf32, #tpu.memory_space<hbm>>) target(%arg19 : memref<64x128xf32, #tpu.memory_space<vmem>>) offsets(%arg11 : memref<64xi32, #tpu.memory_space<vmem>>) semaphore(%arg25 : memref<!tpu.dma_semaphore, #tpu.memory_space<semaphore_mem>>)
      }
      %scan3A_56 = arith.constant 15 : i32
      %dma_wait3A = arith.constant 0 : i32
      %dma_wait3A_57 = arith.constant 0 : i32
      %dma_wait3A_58 = tpu.memref_slice %arg2[%dma_wait3A, %dma_wait3A_57] : memref<10000x128xf32, #tpu.memory_space<hbm>> -> memref<64x128xf32, #tpu.memory_space<hbm>>
      %dma_wait3A_59 = arith.constant 0 : i32
      %dma_wait3A_60 = arith.constant 0 : i32
      %dma_wait3A_61 = tpu.memref_slice %arg2[%dma_wait3A_59, %dma_wait3A_60] : memref<10000x128xf32, #tpu.memory_space<hbm>> -> memref<64x128xf32, #tpu.memory_space<hbm>>
      tpu.wait_dma2 semaphore(%arg22 : memref<!tpu.dma_semaphore, #tpu.memory_space<semaphore_mem>>) src(%dma_wait3A_61 : memref<64x128xf32, #tpu.memory_space<hbm>>) dst(%arg16 : memref<64x128xf32, #tpu.memory_space<vmem>>)
      "tpu.region"() ({
        %run_scoped3A_111 = tpu.sem_alloc : memref<!tpu.dma_semaphore, #tpu.memory_space<semaphore_mem>>
        %dma_start3A_112 = arith.constant 0 : i32
        %dma_start3A_113 = arith.constant 0 : i32
        %dma_start3A_114 = tpu.memref_slice %arg21[%dma_start3A_112, %dma_start3A_113] : memref<10112x128xf32, #tpu.memory_space<vmem_shared>> -> memref<10112x128xf32, #tpu.memory_space<vmem_shared>>
        tpu.enqueue_indirect_dma source(%arg16 : memref<64x128xf32, #tpu.memory_space<vmem>>) target(%dma_start3A_114 : memref<10112x128xf32, #tpu.memory_space<vmem_shared>>) offsets(%arg12 : memref<64xi32, #tpu.memory_space<vmem>>) semaphore(%run_scoped3A_111 : memref<!tpu.dma_semaphore, #tpu.memory_space<semaphore_mem>>) {add = true}
        %dma_wait3A_115 = arith.constant 0 : i32
        %dma_wait3A_116 = arith.constant 0 : i32
        %dma_wait3A_117 = tpu.memref_slice %arg21[%dma_wait3A_115, %dma_wait3A_116] : memref<10112x128xf32, #tpu.memory_space<vmem_shared>> -> memref<10112x128xf32, #tpu.memory_space<vmem_shared>>
        tpu.wait_indirect_dma semaphore(%run_scoped3A_111 : memref<!tpu.dma_semaphore, #tpu.memory_space<semaphore_mem>>) src(%arg16 : memref<64x128xf32, #tpu.memory_space<vmem>>) dst(%dma_wait3A_117 : memref<10112x128xf32, #tpu.memory_space<vmem_shared>>)
        tpu.yield
      }) : () -> ()
      %get3A = arith.constant 0 : index
      %get3A_62 = tpu.vector_load %arg12[%get3A] {strides = array<i32>} : memref<64xi32, #tpu.memory_space<vmem>>, vector<16xi32>,
      tpu.vector_store_idx %arg20[%get3A_62], %broadcast_in_dim3A_8 {add = true} : memref<10112xf32, #tpu.memory_space<vmem>>[vector<16xi32>], vector<16xf32>,
      %get3A_63 = arith.constant 16 : index
      %get3A_64 = tpu.vector_load %arg12[%get3A_63] {strides = array<i32>} : memref<64xi32, #tpu.memory_space<vmem>>, vector<16xi32>,
      tpu.vector_store_idx %arg20[%get3A_64], %broadcast_in_dim3A_8 {add = true} : memref<10112xf32, #tpu.memory_space<vmem>>[vector<16xi32>], vector<16xf32>,
      %get3A_65 = arith.constant 32 : index
      %get3A_66 = tpu.vector_load %arg12[%get3A_65] {strides = array<i32>} : memref<64xi32, #tpu.memory_space<vmem>>, vector<16xi32>,
      tpu.vector_store_idx %arg20[%get3A_66], %broadcast_in_dim3A_8 {add = true} : memref<10112xf32, #tpu.memory_space<vmem>>[vector<16xi32>], vector<16xf32>,
      %get3A_67 = arith.constant 48 : index
      %get3A_68 = tpu.vector_load %arg12[%get3A_67] {strides = array<i32>} : memref<64xi32, #tpu.memory_space<vmem>>, vector<16xi32>,
      tpu.vector_store_idx %arg20[%get3A_68], %broadcast_in_dim3A_8 {add = true} : memref<10112xf32, #tpu.memory_space<vmem>>[vector<16xi32>], vector<16xf32>,
      %dma_wait3A_69 = arith.constant 0 : i32
      %dma_wait3A_70 = arith.constant 0 : i32
      %dma_wait3A_71 = tpu.memref_slice %arg2[%dma_wait3A_69, %dma_wait3A_70] : memref<10000x128xf32, #tpu.memory_space<hbm>> -> memref<64x128xf32, #tpu.memory_space<hbm>>
      %dma_wait3A_72 = arith.constant 0 : i32
      %dma_wait3A_73 = arith.constant 0 : i32
      %dma_wait3A_74 = tpu.memref_slice %arg2[%dma_wait3A_72, %dma_wait3A_73] : memref<10000x128xf32, #tpu.memory_space<hbm>> -> memref<64x128xf32, #tpu.memory_space<hbm>>
      tpu.wait_dma2 semaphore(%arg23 : memref<!tpu.dma_semaphore, #tpu.memory_space<semaphore_mem>>) src(%dma_wait3A_74 : memref<64x128xf32, #tpu.memory_space<hbm>>) dst(%arg17 : memref<64x128xf32, #tpu.memory_space<vmem>>)
      "tpu.region"() ({
        %run_scoped3A_111 = tpu.sem_alloc : memref<!tpu.dma_semaphore, #tpu.memory_space<semaphore_mem>>
        %dma_start3A_112 = arith.constant 0 : i32
        %dma_start3A_113 = arith.constant 0 : i32
        %dma_start3A_114 = tpu.memref_slice %arg21[%dma_start3A_112, %dma_start3A_113] : memref<10112x128xf32, #tpu.memory_space<vmem_shared>> -> memref<10112x128xf32, #tpu.memory_space<vmem_shared>>
        tpu.enqueue_indirect_dma source(%arg17 : memref<64x128xf32, #tpu.memory_space<vmem>>) target(%dma_start3A_114 : memref<10112x128xf32, #tpu.memory_space<vmem_shared>>) offsets(%arg13 : memref<64xi32, #tpu.memory_space<vmem>>) semaphore(%run_scoped3A_111 : memref<!tpu.dma_semaphore, #tpu.memory_space<semaphore_mem>>) {add = true}
        %dma_wait3A_115 = arith.constant 0 : i32
        %dma_wait3A_116 = arith.constant 0 : i32
        %dma_wait3A_117 = tpu.memref_slice %arg21[%dma_wait3A_115, %dma_wait3A_116] : memref<10112x128xf32, #tpu.memory_space<vmem_shared>> -> memref<10112x128xf32, #tpu.memory_space<vmem_shared>>
        tpu.wait_indirect_dma semaphore(%run_scoped3A_111 : memref<!tpu.dma_semaphore, #tpu.memory_space<semaphore_mem>>) src(%arg17 : memref<64x128xf32, #tpu.memory_space<vmem>>) dst(%dma_wait3A_117 : memref<10112x128xf32, #tpu.memory_space<vmem_shared>>)
        tpu.yield
      }) : () -> ()
      %get3A_75 = arith.constant 0 : index
      %get3A_76 = tpu.vector_load %arg13[%get3A_75] {strides = array<i32>} : memref<64xi32, #tpu.memory_space<vmem>>, vector<16xi32>,
      tpu.vector_store_idx %arg20[%get3A_76], %broadcast_in_dim3A_8 {add = true} : memref<10112xf32, #tpu.memory_space<vmem>>[vector<16xi32>], vector<16xf32>,
      %get3A_77 = arith.constant 16 : index
      %get3A_78 = tpu.vector_load %arg13[%get3A_77] {strides = array<i32>} : memref<64xi32, #tpu.memory_space<vmem>>, vector<16xi32>,
      tpu.vector_store_idx %arg20[%get3A_78], %broadcast_in_dim3A_8 {add = true} : memref<10112xf32, #tpu.memory_space<vmem>>[vector<16xi32>], vector<16xf32>,
      %get3A_79 = arith.constant 32 : index
      %get3A_80 = tpu.vector_load %arg13[%get3A_79] {strides = array<i32>} : memref<64xi32, #tpu.memory_space<vmem>>, vector<16xi32>,
      tpu.vector_store_idx %arg20[%get3A_80], %broadcast_in_dim3A_8 {add = true} : memref<10112xf32, #tpu.memory_space<vmem>>[vector<16xi32>], vector<16xf32>,
      %get3A_81 = arith.constant 48 : index
      %get3A_82 = tpu.vector_load %arg13[%get3A_81] {strides = array<i32>} : memref<64xi32, #tpu.memory_space<vmem>>, vector<16xi32>,
      tpu.vector_store_idx %arg20[%get3A_82], %broadcast_in_dim3A_8 {add = true} : memref<10112xf32, #tpu.memory_space<vmem>>[vector<16xi32>], vector<16xf32>,
      %dma_wait3A_83 = arith.constant 0 : i32
      %dma_wait3A_84 = arith.constant 0 : i32
      %dma_wait3A_85 = tpu.memref_slice %arg2[%dma_wait3A_83, %dma_wait3A_84] : memref<10000x128xf32, #tpu.memory_space<hbm>> -> memref<64x128xf32, #tpu.memory_space<hbm>>
      %dma_wait3A_86 = arith.constant 0 : i32
      %dma_wait3A_87 = arith.constant 0 : i32
      %dma_wait3A_88 = tpu.memref_slice %arg2[%dma_wait3A_86, %dma_wait3A_87] : memref<10000x128xf32, #tpu.memory_space<hbm>> -> memref<64x128xf32, #tpu.memory_space<hbm>>
      tpu.wait_dma2 semaphore(%arg24 : memref<!tpu.dma_semaphore, #tpu.memory_space<semaphore_mem>>) src(%dma_wait3A_88 : memref<64x128xf32, #tpu.memory_space<hbm>>) dst(%arg18 : memref<64x128xf32, #tpu.memory_space<vmem>>)
      "tpu.region"() ({
        %run_scoped3A_111 = tpu.sem_alloc : memref<!tpu.dma_semaphore, #tpu.memory_space<semaphore_mem>>
        %dma_start3A_112 = arith.constant 0 : i32
        %dma_start3A_113 = arith.constant 0 : i32
        %dma_start3A_114 = tpu.memref_slice %arg21[%dma_start3A_112, %dma_start3A_113] : memref<10112x128xf32, #tpu.memory_space<vmem_shared>> -> memref<10112x128xf32, #tpu.memory_space<vmem_shared>>
        tpu.enqueue_indirect_dma source(%arg18 : memref<64x128xf32, #tpu.memory_space<vmem>>) target(%dma_start3A_114 : memref<10112x128xf32, #tpu.memory_space<vmem_shared>>) offsets(%arg14 : memref<64xi32, #tpu.memory_space<vmem>>) semaphore(%run_scoped3A_111 : memref<!tpu.dma_semaphore, #tpu.memory_space<semaphore_mem>>) {add = true}
        %dma_wait3A_115 = arith.constant 0 : i32
        %dma_wait3A_116 = arith.constant 0 : i32
        %dma_wait3A_117 = tpu.memref_slice %arg21[%dma_wait3A_115, %dma_wait3A_116] : memref<10112x128xf32, #tpu.memory_space<vmem_shared>> -> memref<10112x128xf32, #tpu.memory_space<vmem_shared>>
        tpu.wait_indirect_dma semaphore(%run_scoped3A_111 : memref<!tpu.dma_semaphore, #tpu.memory_space<semaphore_mem>>) src(%arg18 : memref<64x128xf32, #tpu.memory_space<vmem>>) dst(%dma_wait3A_117 : memref<10112x128xf32, #tpu.memory_space<vmem_shared>>)
        tpu.yield
      }) : () -> ()
      %get3A_89 = arith.constant 0 : index
      %get3A_90 = tpu.vector_load %arg14[%get3A_89] {strides = array<i32>} : memref<64xi32, #tpu.memory_space<vmem>>, vector<16xi32>,
      tpu.vector_store_idx %arg20[%get3A_90], %broadcast_in_dim3A_8 {add = true} : memref<10112xf32, #tpu.memory_space<vmem>>[vector<16xi32>], vector<16xf32>,
      %get3A_91 = arith.constant 16 : index
      %get3A_92 = tpu.vector_load %arg14[%get3A_91] {strides = array<i32>} : memref<64xi32, #tpu.memory_space<vmem>>, vector<16xi32>,
      tpu.vector_store_idx %arg20[%get3A_92], %broadcast_in_dim3A_8 {add = true} : memref<10112xf32, #tpu.memory_space<vmem>>[vector<16xi32>], vector<16xf32>,
      %get3A_93 = arith.constant 32 : index
      %get3A_94 = tpu.vector_load %arg14[%get3A_93] {strides = array<i32>} : memref<64xi32, #tpu.memory_space<vmem>>, vector<16xi32>,
      tpu.vector_store_idx %arg20[%get3A_94], %broadcast_in_dim3A_8 {add = true} : memref<10112xf32, #tpu.memory_space<vmem>>[vector<16xi32>], vector<16xf32>,
      %get3A_95 = arith.constant 48 : index
      %get3A_96 = tpu.vector_load %arg14[%get3A_95] {strides = array<i32>} : memref<64xi32, #tpu.memory_space<vmem>>, vector<16xi32>,
      tpu.vector_store_idx %arg20[%get3A_96], %broadcast_in_dim3A_8 {add = true} : memref<10112xf32, #tpu.memory_space<vmem>>[vector<16xi32>], vector<16xf32>,
      %dma_wait3A_97 = arith.constant 0 : i32
      %dma_wait3A_98 = arith.constant 0 : i32
      %dma_wait3A_99 = tpu.memref_slice %arg2[%dma_wait3A_97, %dma_wait3A_98] : memref<10000x128xf32, #tpu.memory_space<hbm>> -> memref<64x128xf32, #tpu.memory_space<hbm>>
      %dma_wait3A_100 = arith.constant 0 : i32
      %dma_wait3A_101 = arith.constant 0 : i32
      %dma_wait3A_102 = tpu.memref_slice %arg2[%dma_wait3A_100, %dma_wait3A_101] : memref<10000x128xf32, #tpu.memory_space<hbm>> -> memref<64x128xf32, #tpu.memory_space<hbm>>
      tpu.wait_dma2 semaphore(%arg25 : memref<!tpu.dma_semaphore, #tpu.memory_space<semaphore_mem>>) src(%dma_wait3A_102 : memref<64x128xf32, #tpu.memory_space<hbm>>) dst(%arg19 : memref<64x128xf32, #tpu.memory_space<vmem>>)
      "tpu.region"() ({
        %run_scoped3A_111 = tpu.sem_alloc : memref<!tpu.dma_semaphore, #tpu.memory_space<semaphore_mem>>
        %dma_start3A_112 = arith.constant 0 : i32
        %dma_start3A_113 = arith.constant 0 : i32
        %dma_start3A_114 = tpu.memref_slice %arg21[%dma_start3A_112, %dma_start3A_113] : memref<10112x128xf32, #tpu.memory_space<vmem_shared>> -> memref<10112x128xf32, #tpu.memory_space<vmem_shared>>
        tpu.enqueue_indirect_dma source(%arg19 : memref<64x128xf32, #tpu.memory_space<vmem>>) target(%dma_start3A_114 : memref<10112x128xf32, #tpu.memory_space<vmem_shared>>) offsets(%arg15 : memref<64xi32, #tpu.memory_space<vmem>>) semaphore(%run_scoped3A_111 : memref<!tpu.dma_semaphore, #tpu.memory_space<semaphore_mem>>) {add = true}
        %dma_wait3A_115 = arith.constant 0 : i32
        %dma_wait3A_116 = arith.constant 0 : i32
        %dma_wait3A_117 = tpu.memref_slice %arg21[%dma_wait3A_115, %dma_wait3A_116] : memref<10112x128xf32, #tpu.memory_space<vmem_shared>> -> memref<10112x128xf32, #tpu.memory_space<vmem_shared>>
        tpu.wait_indirect_dma semaphore(%run_scoped3A_111 : memref<!tpu.dma_semaphore, #tpu.memory_space<semaphore_mem>>) src(%arg19 : memref<64x128xf32, #tpu.memory_space<vmem>>) dst(%dma_wait3A_117 : memref<10112x128xf32, #tpu.memory_space<vmem_shared>>)
        tpu.yield
      }) : () -> ()
      %get3A_103 = arith.constant 0 : index
      %get3A_104 = tpu.vector_load %arg15[%get3A_103] {strides = array<i32>} : memref<64xi32, #tpu.memory_space<vmem>>, vector<16xi32>,
      tpu.vector_store_idx %arg20[%get3A_104], %broadcast_in_dim3A_8 {add = true} : memref<10112xf32, #tpu.memory_space<vmem>>[vector<16xi32>], vector<16xf32>,
      %get3A_105 = arith.constant 16 : index
      %get3A_106 = tpu.vector_load %arg15[%get3A_105] {strides = array<i32>} : memref<64xi32, #tpu.memory_space<vmem>>, vector<16xi32>,
      tpu.vector_store_idx %arg20[%get3A_106], %broadcast_in_dim3A_8 {add = true} : memref<10112xf32, #tpu.memory_space<vmem>>[vector<16xi32>], vector<16xf32>,
      %get3A_107 = arith.constant 32 : index
      %get3A_108 = tpu.vector_load %arg15[%get3A_107] {strides = array<i32>} : memref<64xi32, #tpu.memory_space<vmem>>, vector<16xi32>,
      tpu.vector_store_idx %arg20[%get3A_108], %broadcast_in_dim3A_8 {add = true} : memref<10112xf32, #tpu.memory_space<vmem>>[vector<16xi32>], vector<16xf32>,
      %get3A_109 = arith.constant 48 : index
      %get3A_110 = tpu.vector_load %arg15[%get3A_109] {strides = array<i32>} : memref<64xi32, #tpu.memory_space<vmem>>, vector<16xi32>,
      tpu.vector_store_idx %arg20[%get3A_110], %broadcast_in_dim3A_8 {add = true} : memref<10112xf32, #tpu.memory_space<vmem>>[vector<16xi32>], vector<16xf32>,
    } else {
    }
    %barrier3A_19 = arith.constant 0 : index
    tpu.barrier barrier_id(%barrier3A_19)
    %eq3A_20 = arith.constant 0 : i32
    %eq3A_21 = arith.cmpi eq, %arg1, %eq3A_20 : i32
    %convert_element_type3A_22 = arith.extui %eq3A_21 : i1 to i32
    %cond3A_23 = arith.constant 0 : i32
    %cond3A_24 = arith.cmpi ne, %convert_element_type3A_22, %cond3A_23 : i32
    scf.if %cond3A_24 {
      "tpu.region"() ({
        %run_scoped3A_25 = tpu.sem_alloc : memref<!tpu.dma_semaphore, #tpu.memory_space<semaphore_mem>>
        %dma_start3A = arith.constant 0 : i32
        %dma_start3A_26 = arith.constant 0 : i32
        %dma_start3A_27 = tpu.memref_slice %arg6[%arg0, %dma_start3A, %dma_start3A_26] : memref<2x10112x128xf32, #tpu.memory_space<hbm>> -> memref<1x10112x128xf32, #tpu.memory_space<hbm>>
        %dma_start3A_28 = tpu.memref_squeeze %dma_start3A_27 : memref<1x10112x128xf32, #tpu.memory_space<hbm>> -> memref<10112x128xf32, #tpu.memory_space<hbm>>
        tpu.enqueue_dma source(%arg21 : memref<10112x128xf32, #tpu.memory_space<vmem_shared>>) target(%dma_start3A_28 : memref<10112x128xf32, #tpu.memory_space<hbm>>) target_semaphore(%run_scoped3A_25 : memref<!tpu.dma_semaphore, #tpu.memory_space<semaphore_mem>>)
        %dma_wait3A = arith.constant 0 : i32
        %dma_wait3A_29 = arith.constant 0 : i32
        %dma_wait3A_30 = tpu.memref_slice %arg6[%arg0, %dma_wait3A, %dma_wait3A_29] : memref<2x10112x128xf32, #tpu.memory_space<hbm>> -> memref<1x10112x128xf32, #tpu.memory_space<hbm>>
        %dma_wait3A_31 = tpu.memref_squeeze %dma_wait3A_30 : memref<1x10112x128xf32, #tpu.memory_space<hbm>> -> memref<10112x128xf32, #tpu.memory_space<hbm>>
        tpu.wait_dma2 semaphore(%run_scoped3A_25 : memref<!tpu.dma_semaphore, #tpu.memory_space<semaphore_mem>>) src(%arg21 : memref<10112x128xf32, #tpu.memory_space<vmem_shared>>) dst(%dma_wait3A_31 : memref<10112x128xf32, #tpu.memory_space<hbm>>)
        tpu.yield
      }) : () -> ()
    } else {
    }
    %run_scoped3A = arith.constant 0 : i32
    "tpu.region"() ({
      %run_scoped3A_25 = tpu.sem_alloc : memref<!tpu.dma_semaphore, #tpu.memory_space<semaphore_mem>>
      %dma_start3A = arith.constant 0 : i32
      %dma_start3A_26 = tpu.memref_slice %arg7[%add3A, %run_scoped3A, %dma_start3A] : memref<32x1x10112xf32, #tpu.memory_space<hbm>> -> memref<1x1x10112xf32, #tpu.memory_space<hbm>>
      %dma_start3A_27 = tpu.memref_squeeze %dma_start3A_26 : memref<1x1x10112xf32, #tpu.memory_space<hbm>> -> memref<10112xf32, #tpu.memory_space<hbm>>
      %dma_start3A_28 = arith.constant 0 : i32
      %dma_start3A_29 = tpu.memref_slice %arg7[%add3A, %run_scoped3A, %dma_start3A_28] : memref<32x1x10112xf32, #tpu.memory_space<hbm>> -> memref<1x1x10112xf32, #tpu.memory_space<hbm>>
      %dma_start3A_30 = tpu.memref_squeeze %dma_start3A_29 : memref<1x1x10112xf32, #tpu.memory_space<hbm>> -> memref<10112xf32, #tpu.memory_space<hbm>>
      tpu.enqueue_dma source(%arg20 : memref<10112xf32, #tpu.memory_space<vmem>>) target(%dma_start3A_30 : memref<10112xf32, #tpu.memory_space<hbm>>) target_semaphore(%run_scoped3A_25 : memref<!tpu.dma_semaphore, #tpu.memory_space<semaphore_mem>>)
      %dma_wait3A = arith.constant 0 : i32
      %dma_wait3A_31 = tpu.memref_slice %arg7[%add3A, %run_scoped3A, %dma_wait3A] : memref<32x1x10112xf32, #tpu.memory_space<hbm>> -> memref<1x1x10112xf32, #tpu.memory_space<hbm>>
      %dma_wait3A_32 = tpu.memref_squeeze %dma_wait3A_31 : memref<1x1x10112xf32, #tpu.memory_space<hbm>> -> memref<10112xf32, #tpu.memory_space<hbm>>
      %dma_wait3A_33 = arith.constant 0 : i32
      %dma_wait3A_34 = tpu.memref_slice %arg7[%add3A, %run_scoped3A, %dma_wait3A_33] : memref<32x1x10112xf32, #tpu.memory_space<hbm>> -> memref<1x1x10112xf32, #tpu.memory_space<hbm>>
      %dma_wait3A_35 = tpu.memref_squeeze %dma_wait3A_34 : memref<1x1x10112xf32, #tpu.memory_space<hbm>> -> memref<10112xf32, #tpu.memory_space<hbm>>
      tpu.wait_dma2 semaphore(%run_scoped3A_25 : memref<!tpu.dma_semaphore, #tpu.memory_space<semaphore_mem>>) src(%arg20 : memref<10112xf32, #tpu.memory_space<vmem>>) dst(%dma_wait3A_35 : memref<10112xf32, #tpu.memory_space<hbm>>)
      tpu.yield
    }) : () -> ()
    return
  }
}

module attributes {stable_mosaic.version = 14 : i64} {
  func.func @_tc_mlp_body(%arg0: i32, %arg1: memref<400x128xf32, #tpu.memory_space<vmem>>, %arg2: memref<2x400x128xf32, #tpu.memory_space<vmem>>, %arg3: memref<400x32xf32, #tpu.memory_space<vmem>>, %arg4: memref<128x256xf32, #tpu.memory_space<vmem>>, %arg5: memref<128x256xf32, #tpu.memory_space<vmem>>, %arg6: memref<1x256xf32, #tpu.memory_space<vmem>>, %arg7: memref<256x128xf32, #tpu.memory_space<vmem>>, %arg8: memref<1x128xf32, #tpu.memory_space<vmem>>, %arg9: memref<400x128xf32, #tpu.memory_space<vmem>>) attributes {dimension_semantics = [#tpu.dimension_semantics<arbitrary>], iteration_bounds = array<i64: 25>, scalar_prefetch = 0 : i64, scratch_operands = 0 : i64, tpu.core_type = #tpu.core_type<tc>, window_params = [{transform_indices = @transform_0, window_bounds = array<i64: 400, 128>}, {transform_indices = @transform_1, window_bounds = array<i64: 2, 400, 128>}, {transform_indices = @transform_2, window_bounds = array<i64: 400, 32>}, {pipeline_mode = #tpu.pipeline_mode<synchronous>, transform_indices = @transform_3, window_bounds = array<i64: 128, 256>}, {pipeline_mode = #tpu.pipeline_mode<synchronous>, transform_indices = @transform_4, window_bounds = array<i64: 128, 256>}, {pipeline_mode = #tpu.pipeline_mode<synchronous>, transform_indices = @transform_5, window_bounds = array<i64: 1, 256>}, {pipeline_mode = #tpu.pipeline_mode<synchronous>, transform_indices = @transform_6, window_bounds = array<i64: 256, 128>}, {pipeline_mode = #tpu.pipeline_mode<synchronous>, transform_indices = @transform_7, window_bounds = array<i64: 1, 128>}, {transform_indices = @transform_8, window_bounds = array<i64: 400, 128>}]} {
    %get3A = arith.constant 0 : index
    %get3A_0 = arith.constant 0 : index
    %get3A_1 = arith.constant 0 : index
    %get3A_2 = vector.load %arg2[%get3A, %get3A_0, %get3A_1] : memref<2x400x128xf32, #tpu.memory_space<vmem>>, vector<1x400x128xf32>
    %get3A_3 = vector.shape_cast %get3A_2 : vector<1x400x128xf32> to vector<400x128xf32>
    %get3A_4 = arith.constant 1 : index
    %get3A_5 = arith.constant 0 : index
    %get3A_6 = arith.constant 0 : index
    %get3A_7 = vector.load %arg2[%get3A_4, %get3A_5, %get3A_6] : memref<2x400x128xf32, #tpu.memory_space<vmem>>, vector<1x400x128xf32>
    %get3A_8 = vector.shape_cast %get3A_7 : vector<1x400x128xf32> to vector<400x128xf32>
    %add3A = arith.addf %get3A_3, %get3A_8 : vector<400x128xf32>
    %get3A_9 = arith.constant 0 : index
    %get3A_10 = arith.constant 0 : index
    %get3A_11 = vector.load %arg3[%get3A_9, %get3A_10] : memref<400x32xf32, #tpu.memory_space<vmem>>, vector<400x32xf32>
    %reduce_sum3A = arith.constant dense<0.000000e+00> : vector<400xf32>
    %reduce_sum3A_12 = vector.multi_reduction <add>, %get3A_11, %reduce_sum3A [1] : vector<400x32xf32> to vector<400xf32>
    %broadcast_in_dim3A = vector.shape_cast %reduce_sum3A_12 : vector<400xf32> to vector<400x1xf32>
    %max3A = arith.constant 1.000000e+00 : f32
    %max3A_13 = vector.broadcast %max3A : f32 to vector<400x1xf32>
    %max3A_14 = arith.maximumf %broadcast_in_dim3A, %max3A_13 : vector<400x1xf32>
    %div3A = vector.broadcast %max3A_14 : vector<400x1xf32> to vector<400x128xf32>
    %div3A_15 = arith.divf %add3A, %div3A : vector<400x128xf32>
    %get3A_16 = arith.constant 0 : index
    %get3A_17 = arith.constant 0 : index
    %get3A_18 = vector.load %arg1[%get3A_16, %get3A_17] : memref<400x128xf32, #tpu.memory_space<vmem>>, vector<400x128xf32>
    %get3A_19 = arith.constant 0 : index
    %get3A_20 = arith.constant 0 : index
    %get3A_21 = vector.load %arg4[%get3A_19, %get3A_20] : memref<128x256xf32, #tpu.memory_space<vmem>>, vector<128x256xf32>
    %dot_general3A = arith.constant dense<0.000000e+00> : vector<400x256xf32>
    %dot_general3A_22 = tpu.matmul %get3A_18, %get3A_21, %dot_general3A {dimension_numbers = #tpu.dot_dimension_numbers<[1], [0], [0], [1], [0, 0, 1, 1], [], []>, transpose_lhs_hint = false} : vector<400x128xf32>, vector<128x256xf32>, vector<400x256xf32> -> vector<400x256xf32>
    %get3A_23 = arith.constant 0 : index
    %get3A_24 = arith.constant 0 : index
    %get3A_25 = vector.load %arg5[%get3A_23, %get3A_24] : memref<128x256xf32, #tpu.memory_space<vmem>>, vector<128x256xf32>
    %dot_general3A_26 = arith.constant dense<0.000000e+00> : vector<400x256xf32>
    %dot_general3A_27 = tpu.matmul %div3A_15, %get3A_25, %dot_general3A_26 {dimension_numbers = #tpu.dot_dimension_numbers<[1], [0], [0], [1], [0, 0, 1, 1], [], []>, transpose_lhs_hint = false} : vector<400x128xf32>, vector<128x256xf32>, vector<400x256xf32> -> vector<400x256xf32>
    %add3A_28 = arith.addf %dot_general3A_22, %dot_general3A_27 : vector<400x256xf32>
    %get3A_29 = arith.constant 0 : index
    %get3A_30 = arith.constant 0 : index
    %get3A_31 = vector.load %arg6[%get3A_29, %get3A_30] : memref<1x256xf32, #tpu.memory_space<vmem>>, vector<1x256xf32>
    %add3A_32 = vector.broadcast %get3A_31 : vector<1x256xf32> to vector<400x256xf32>
    %add3A_33 = arith.addf %add3A_28, %add3A_32 : vector<400x256xf32>
    %max3A_34 = arith.constant 0.000000e+00 : f32
    %max3A_35 = vector.broadcast %max3A_34 : f32 to vector<400x256xf32>
    %max3A_36 = arith.maximumf %add3A_33, %max3A_35 : vector<400x256xf32>
    %get3A_37 = arith.constant 0 : index
    %get3A_38 = arith.constant 0 : index
    %get3A_39 = vector.load %arg7[%get3A_37, %get3A_38] : memref<256x128xf32, #tpu.memory_space<vmem>>, vector<256x128xf32>
    %dot_general3A_40 = arith.constant dense<0.000000e+00> : vector<400x128xf32>
    %dot_general3A_41 = tpu.matmul %max3A_36, %get3A_39, %dot_general3A_40 {dimension_numbers = #tpu.dot_dimension_numbers<[1], [0], [0], [1], [0, 0, 1, 1], [], []>, transpose_lhs_hint = false} : vector<400x256xf32>, vector<256x128xf32>, vector<400x128xf32> -> vector<400x128xf32>
    %get3A_42 = arith.constant 0 : index
    %get3A_43 = arith.constant 0 : index
    %get3A_44 = vector.load %arg8[%get3A_42, %get3A_43] : memref<1x128xf32, #tpu.memory_space<vmem>>, vector<1x128xf32>
    %add3A_45 = vector.broadcast %get3A_44 : vector<1x128xf32> to vector<400x128xf32>
    %add3A_46 = arith.addf %dot_general3A_41, %add3A_45 : vector<400x128xf32>
    %swap3A = arith.constant 0 : index
    %swap3A_47 = arith.constant 0 : index
    %swap3A_48 = vector.load %arg9[%swap3A, %swap3A_47] : memref<400x128xf32, #tpu.memory_space<vmem>>, vector<400x128xf32>
    tpu.vector_store %arg9[%swap3A, %swap3A_47], %add3A_46 {strides = array<i32>} : memref<400x128xf32, #tpu.memory_space<vmem>>, vector<400x128xf32>,
    return
  }
  func.func @transform_0(%arg0: i32) -> (i32, i32) {
    %c0_i32 = arith.constant 0 : i32
    %c0_i32_0 = arith.constant 0 : i32
    return %arg0, %c0_i32 : i32, i32
  }
  func.func @transform_1(%arg0: i32) -> (i32, i32, i32) {
    %c0_i32 = arith.constant 0 : i32
    %c0_i32_0 = arith.constant 0 : i32
    %c0_i32_1 = arith.constant 0 : i32
    return %c0_i32, %arg0, %c0_i32_0 : i32, i32, i32
  }
  func.func @transform_2(%arg0: i32) -> (i32, i32) {
    %c0_i32 = arith.constant 0 : i32
    %c0_i32_0 = arith.constant 0 : i32
    return %arg0, %c0_i32 : i32, i32
  }
  func.func @transform_3(%arg0: i32) -> (i32, i32) {
    %c0_i32 = arith.constant 0 : i32
    %c0_i32_0 = arith.constant 0 : i32
    %c0_i32_1 = arith.constant 0 : i32
    return %c0_i32, %c0_i32_0 : i32, i32
  }
  func.func @transform_4(%arg0: i32) -> (i32, i32) {
    %c0_i32 = arith.constant 0 : i32
    %c0_i32_0 = arith.constant 0 : i32
    %c0_i32_1 = arith.constant 0 : i32
    return %c0_i32, %c0_i32_0 : i32, i32
  }
  func.func @transform_5(%arg0: i32) -> (i32, i32) {
    %c0_i32 = arith.constant 0 : i32
    %c0_i32_0 = arith.constant 0 : i32
    %c0_i32_1 = arith.constant 0 : i32
    return %c0_i32, %c0_i32_0 : i32, i32
  }
  func.func @transform_6(%arg0: i32) -> (i32, i32) {
    %c0_i32 = arith.constant 0 : i32
    %c0_i32_0 = arith.constant 0 : i32
    %c0_i32_1 = arith.constant 0 : i32
    return %c0_i32, %c0_i32_0 : i32, i32
  }
  func.func @transform_7(%arg0: i32) -> (i32, i32) {
    %c0_i32 = arith.constant 0 : i32
    %c0_i32_0 = arith.constant 0 : i32
    %c0_i32_1 = arith.constant 0 : i32
    return %c0_i32, %c0_i32_0 : i32, i32
  }
  func.func @transform_8(%arg0: i32) -> (i32, i32) {
    %c0_i32 = arith.constant 0 : i32
    %c0_i32_0 = arith.constant 0 : i32
    return %arg0, %c0_i32 : i32, i32
  }
}

</mosaic_0001>

<sc_bundles>
// kernel: kernel.4.cloned.1.call-start
scs
__scs_entry_jumppad:
0x0: {  	(pc) =	sbr.rel $0x88, $3  }
0x1: {  	(tag) =	ssettag $0x0;
	lr =	simm.s32 $0x1  }
0x2: {  	[smem:$0x3F9B] =	sst lr;
	_ =	strace $0xD0000000  }
0x3: {  	_ = 	snop  }
0x4: {  	_ = 	snop  }
0x5: {  	_ = 	snop  }
0x6: {  	_ = 	snop  }
0x7: {  	_ = 	snop  }
__scs_overlays_trampoline_lowered:
0x8: {  	[smem:$0x3FAA] =	sst s0  }
0x9: {  	[smem:$0x3FAB] =	sst s1  }
0xa: {  	[smem:$0x3FAC] =	sst s2  }
0xb: {  	[smem:$0x3FAD] =	sst s3  }
0xc: {  	[smem:$0x3FAE] =	sst s4  }
0xd: {  	[smem:$0x3FAF] =	sst s5  }
0xe: {  	[smem:$0x3FB0] =	sst s6  }
0xf: {  	[smem:$0x3FB1] =	sst s7  }
0x10: {  	[smem:$0x3FB2] =	sst s8  }
0x11: {  	[smem:$0x3FB3] =	sst s9;
	s0 =	simm.s32 @!p0 $0x0  }
0x12: {  	s1 =	sld [smem:$0x3F99];
	s0 =	simm.s32 @p0 $0x1  }
0x13: {  	[smem:$0x3FB4] =	sst s0;
	s0 =	simm.s32 @!p1 $0x0  }
0x14: {  	s2 =	sld [smem:$0x3F98];
	s0 =	simm.s32 @p1 $0x1  }
0x15: {  	[smem:$0x3FB5] =	sst s0;
	s0 =	simm.s32 @!p2 $0x0  }
0x16: {  	s3 =	sld [smem:$0x3FDB];
	s0 =	simm.s32 @p2 $0x1  }
0x17: {  	s4 =	simm.s32 $0x1BF5;
	[smem:$0x3FB7] =	sst s0  }
0x18: {  	s0 =	sld [smem:$0x3F9A];
	_ =	swait.ge [sflag:s4], $0x0  }
0x19: {  	s7 =	sld [smem:$0x3F9B]  }
0x1a: {  	s8 =	sadd.s32 $0xFFFFE003, lr  }
0x1b: {  	s9 =	sadd.s32 $0xFFFFFEF7, lr;
	s5 =	simm.s32 $0xFFFFFFFF;
	p2 =	slt.u32 s8, $0xFFFFF086  }
0x1c: {  	p1 =	slt.u32 s9, $0xF7A;
	s5 =	simm.s32 @!p2 $0x0  }
0x1d: {  	s5 =	simm.s32 @p1 $0x1;
	p0 =	seq.s32 s7, s2  }
0x1e: {  	s7 =	smul.u32 @!p0 $0xF7A, s2;
	p2 =	seq.s32 @!p0 s5, $0x0  }
0x1f: {  	s9 =	smul.u32 $0xF7A, s1;
	s8 =	simm.s32 @!p0 $0x1BF5;
	p2 =	por !p2, p0  }
0x20: {  	[sflag:s8] =	ssyncset.s32 @!p0 $0xFFFFF086;
	s6 =	sadd.s32 @!p0 s3, s7;
	s7 =	simm.s32 @!p0 $0x108  }
0x21: {  	s3 =	sadd.s32 s3, s9;
	s6 =	sadd.s32 @!p0 $0x88, s6;
	s7 =	simm.s32 @p2 $0x1082  }
0x22: {  	[simem:s7], [sflag:s8] =	dma.local @!p0 [hbm:s6], $0xF7A  }
0x23: {  	s9 =	sor.u32 $0xD0000000, s2;
	s6 =	simm.s32 $0x108;
	_ =	swait.ge @!p0 [sflag:s8], $0x0  }
0x24: {  	s3 =	sadd.s32 $0x88, s3;
	s6 =	simm.s32 @!p1 $0x1082;
	[sflag:s4] =	ssyncset.s32 $0xFFFFF086  }
0x25: {  	[simem:s6], [sflag:s4] =	dma.local [hbm:s3], $0xF7A  }
0x26: {  	[smem:$0x3F9B] =	sst s1;
	(tag) =	ssettag s2;
	_ =	strace s9  }
0x27: {  	s1 =	sld [smem:$0x3FAB]  }
0x28: {  	s2 =	sld [smem:$0x3FAC]  }
0x29: {  	s4 =	sld [smem:$0x3FAE]  }
0x2a: {  	p0 =	seq.s32 s5, $0x0;
	s5 =	sld [smem:$0x3FAF]  }
0x2b: {  	s6 =	sld [smem:$0x3FB0]  }
0x2c: {  	s7 =	sld [smem:$0x3FB1]  }
0x2d: {  	s3 =	simm.s32 $0x108;
	s8 =	sld [smem:$0x3FB2]  }
0x2e: {  	s3 =	simm.s32 @!p0 $0x1082;
	s9 =	sld [smem:$0x3FB3]  }
0x2f: {  	lr =	sadd.s32 s0, s3;
	s0 =	sld [smem:$0x3FAA]  }
0x30: {  	s3 =	sld [smem:$0x3FAD]  }
0x31: {  	[smem:$0x3FB6] =	sst s10  }
0x32: {  	s10 =	sld [smem:$0x3FB4];
	_ =	sdelay $0x3  }
0x33: {  	p0 =	seq.s32 s10, $0x1;
	s10 =	sld [smem:$0x3FB6];
	_ =	sdelay $0x3  }
0x34: {  	[smem:$0x3FB6] =	sst s10  }
0x35: {  	s10 =	sld [smem:$0x3FB5];
	_ =	sdelay $0x3  }
0x36: {  	p1 =	seq.s32 s10, $0x1;
	s10 =	sld [smem:$0x3FB6];
	_ =	sdelay $0x3  }
0x37: {  	[smem:$0x3FB6] =	sst s10  }
0x38: {  	s10 =	sld [smem:$0x3FB7]  }
0x39: {  	_ = 	snop;
	(pc) =	sbr.ind lr, $3  }
0x3a: {  	_ = 	snop  }
0x3b: {  	_ = 	snop  }
0x3c: {  	p2 =	seq.s32 s10, $0x1;
	s10 =	sld [smem:$0x3FB6]  }
0x3d: {  	_ =	shalt  }
0x3e: {  	_ =	shalt  }
0x3f: {  	_ =	shalt  }
0x40: {  	_ =	shalt  }
0x41: {  	_ =	shalt  }
0x42: {  	_ =	shalt  }
0x43: {  	_ =	shalt  }
0x44: {  	_ =	shalt  }
0x45: {  	_ =	shalt  }
0x46: {  	_ =	shalt  }
0x47: {  	_ =	shalt  }
0x48: {  	_ =	shalt  }
0x49: {  	_ =	shalt  }
0x4a: {  	_ =	shalt  }
0x4b: {  	_ =	shalt  }
0x4c: {  	_ =	shalt  }
0x4d: {  	_ =	shalt  }
0x4e: {  	_ =	shalt  }
0x4f: {  	_ =	shalt  }
0x50: {  	_ =	shalt  }
0x51: {  	_ =	shalt  }
0x52: {  	_ =	shalt  }
0x53: {  	_ =	shalt  }
0x54: {  	_ =	shalt  }
0x55: {  	_ =	shalt  }
0x56: {  	_ =	shalt  }
0x57: {  	_ =	shalt  }
0x58: {  	_ =	shalt  }
0x59: {  	_ =	shalt  }
0x5a: {  	_ =	shalt  }
0x5b: {  	_ =	shalt  }
0x5c: {  	_ =	shalt  }
0x5d: {  	_ =	shalt  }
0x5e: {  	_ =	shalt  }
0x5f: {  	_ =	shalt  }
0x60: {  	_ =	shalt  }
0x61: {  	_ =	shalt  }
0x62: {  	_ =	shalt  }
0x63: {  	_ =	shalt  }
0x64: {  	_ =	shalt  }
0x65: {  	_ =	shalt  }
0x66: {  	_ =	shalt  }
0x67: {  	_ =	shalt  }
0x68: {  	_ =	shalt  }
0x69: {  	_ =	shalt  }
0x6a: {  	_ =	shalt  }
0x6b: {  	_ =	shalt  }
0x6c: {  	_ =	shalt  }
0x6d: {  	_ =	shalt  }
0x6e: {  	_ =	shalt  }
0x6f: {  	_ =	shalt  }
0x70: {  	_ =	shalt  }
0x71: {  	_ =	shalt  }
0x72: {  	_ =	shalt  }
0x73: {  	_ =	shalt  }
0x74: {  	_ =	shalt  }
0x75: {  	_ =	shalt  }
0x76: {  	_ =	shalt  }
0x77: {  	_ =	shalt  }
0x78: {  	_ =	shalt  }
0x79: {  	_ =	shalt  }
0x7a: {  	_ =	shalt  }
0x7b: {  	_ =	shalt  }
0x7c: {  	_ =	shalt  }
0x7d: {  	_ =	shalt  }
0x7e: {  	_ =	shalt  }
0x7f: {  	_ =	shalt  }
0x80: {  	_ =	shalt  }
0x81: {  	_ =	shalt  }
0x82: {  	_ =	shalt  }
0x83: {  	_ =	shalt  }
0x84: {  	_ =	shalt  }
0x85: {  	_ =	shalt  }
0x86: {  	_ =	shalt  }
0x87: {  	_ =	shalt  }
.Lfunc_end0:
.L_simem_size_0:
called_computation_lowered:
.L_overlay_start_0:
0x88: {  	s2 =	sld [smem:$0x3FD9]  }
0x89: {  	s3 =	sld [smem:$0x3FFE];
	_ =	sdelay $0x1  }
0x8a: {  	s1 =	srdreg.scid  }
0x8b: {  	s0 =	sand.u32 $0x1, s1  }
0x8c: {  	s17 =	sshll.u32 s0, $0xA;
	s2 =	sadd.s32 s3, s2  }
0x8d: {  	s2 =	sadd.s32 s2, s17  }
0x8e: {  	[smem:$0x3FC2] =	sst s2  }
0x8f: {  	_ = 	snop  }
0x90: {  	s2 =	sld [smem:$0x3FC9]  }
0x91: {  	s18 =	sld [smem:$0x3FD0];
	(tm) =	ssettm $0x1  }
0x92: {  	s4 =	sld [smem:$0x3FFB];
	_ =	sdelay $0x3  }
0x93: {  	_ =	strace s4  }
0x94: {  	s4 =	sld [smem:$0x3FFC];
	_ =	sdelay $0x3  }
0x95: {  	_ =	strace s4  }
0x96: {  	s4 =	sld [smem:$0x3FFD];
	_ =	sdelay $0x3  }
0x97: {  	_ =	strace s4  }
0x98: {  	_ =	strace $0x8FFFFFFF  }
0x99: {  	s19 =	sld [smem:$0x3FDB];
	_ =	sdelay $0x1  }
0x9a: {  	s5 =	simm.s32 $_scs_section_size  }
0x9b: {  	s6 =	simm.s32 $_size__tile_overlayer_lowered;
	s7 =	simm.s32 $_tile_overlayer_lowered  }
0x9c: {  	s22 =	simm.s32 $0x1BFF;
	s21 =	sshll.u32 s7, $0x1;
	s4 =	sadd.s32 s5, s19  }
0x9d: {  	s8 =	simm.s32 $0x0;
	s20 =	sshll.u32 s6, $0x1;
	s6 =	sadd.s32 s21, s4  }
0x9e: {  	[timem:s8], [sflag:s22] =	dma.local [hbm:s6], s20  }
0x9f: {  	_ =	swait.ge [sflag:s22], s20  }
0xa0: {  	s5 =	ssub.s32 $0x0, s20;
	[sflag:s22] =	ssyncset.done $0x0  }
0xa1: {  	[sflag:s22] =	ssyncadd.s32 s5;
	_ =	sdelay $0x1  }
0xa2: {  	s23 =	simm.s32 $0x1B8B  }
0xa3: {  	_ =	swait.ge [sflag:s23], $0x1  }
0xa4: {  	[sflag:s23] =	ssyncset.done $0x0  }
0xa5: {  	s25 =	simm.s32 $0x1B8E;
	s24 =	sld [smem:$0x3FFE];
	[sflag:s23] =	ssyncadd.s32 $0xFFFFFFFF  }
0xa6: {  	s26 =	simm.s32 $execute0_lowered;
	[smem:$0x3FD2] =	sst s25  }
0xa7: {  	s6 =	sshll.u32 s26, $0x1;
	_ =	strace $0x80000046;
	[dreg:$0x1] =	wrdreg $0xFFFFFFFF  }
0xa8: {  	s28 =	simm.s32 $_size_execute0_lowered;
	s4 =	sadd.s32 s4, s6;
	[dreg:$0x0] =	wrdreg $0x0  }
0xa9: {  	s6 =	sshll.u32 s28, $0x1;
	[dreg:$0x2] =	wrdreg s4  }
0xaa: {  	[dreg:$0x3] =	wrdreg s6  }
0xab: {  	[dreg:$0x4] =	wrdreg $0xC0  }
0xac: {  	_ =	task [dreg:s8], $0x5FFFF  }
0xad: {  	[dreg:$0x1] =	wrdreg $0xFFFFFFFF  }
0xae: {  	[dreg:$0x0] =	wrdreg $0x60  }
0xaf: {  	[dreg:$0x2] =	wrdreg s2  }
0xb0: {  	[dreg:$0x3] =	wrdreg s18  }
0xb1: {  	[dreg:$0x4] =	wrdreg s24  }
0xb2: {  	[dreg:$0x5] =	wrdreg $0xAB800  }
0xb3: {  	[dreg:$0x6] =	wrdreg $0x9  }
0xb4: {  	_ =	task.clear_ibuf [dreg:s8], $0x7FFFF;
	_ =	strace $0x90000046  }
0xb5: {  	s29 =	simm.s32 $0x9;
	_ =	strace $0x80000048  }
0xb6: {  	_ =	swait.ge [sflag:s29], $0x1  }
0xb7: {  	[sflag:s29] =	ssyncadd.s32 $0xFFFFFFFF  }
0xb8: {  	_ =	strace $0x90000048  }
0xb9: {  	_ =	sfence  }
0xba: {  	s30 =	sld [smem:$0x0];
	_ =	sdelay $0x2  }
0xbb: {  	s31 =	sshll.u32 s1, $0xD;
	s1 =	sshrl.u32 s1, $0x2  }
0xbc: {  	s3 =	sand.u32 $0x4000, s31;
	s1 =	sadd.s32 s1, s30  }
0xbd: {  	s0 =	sor.u32 s3, s0;
	s1 =	sshll.u32 s1, $0x11  }
0xbe: {  	s0 =	sor.u32 s1, s0  }
0xbf: {  	s0 =	sadd.s32 $0x8F2B, s0  }
0xc0: {  	[sflag:s0] =	ssyncadd.remote.s32 $0x1  }
0xc1: {  	_ =	sfence.sel $0xFFFF  }
0xc2: {  	[dreg:$0x0] =	wrdreg $0xFFFFFFFF;
	(pc) =	sbr.abs _section_cstart, $3  }
0xc3: {  	[dreg:$0x1] =	wrdreg $0xFFFFFFFF  }
0xc4: {  	_ =	task.clear_ibuf [dreg:s8], $0x2FFFF;
	_ =	strace $0x9FFFFFFF  }
0xc5: {  	(tm) =	ssettm $0x7FFFFFFF  }
tec
execute0_lowered:
.L_overlay_start_1:
0x0: {  	(tag) =	ssettag $0x1  }
0x1: {  	s1 =	rddreg [dreg:$0x0]  }
0x2: {  	s0 =	rddreg [dreg:$0x1]  }
0x3: {  	s6 =	rddreg [dreg:$0x2]  }
0x4: {  	s2 =	rddreg [dreg:$0x3]  }
0x5: {  	s3 =	simm.s32 $0x0;
	s4 =	srdreg.scid;
	s7 =	stileid.u32  }
0x6: {  	s28 =	simm.s32 $0x400;
	s29 =	simm.s32 $0x80;
	s30 =	simm.s32 $0x280  }
0x7: {  	s31 =	simm.s32 $0x2400;
	[smem:$0x7FF] =	sst s3;
	s4 =	sand.u32 $0x1, s4  }
0x8: {  	s10 =	sadd.s32 $0x1400, s6;
	s12 =	sshll.u32 s7, $0xB;
	s26 =	sshll.u32 s7, $0x9  }
0x9: {  	p1 =	sne.s32 s7, $0x0;
	_ =	strace $0x80000047;
	s5 =	sshll.u32 s4, $0x4  }
0xa: {  	s8 =	smul.u32 $0x27800, s4;
	s9 =	ssub.s32 $0x2, s4;
	p0 =	seq.s32 s4, $0x1  }
0xb: {  	s4 =	sadd.s32 s0, s12;
	s13 =	sor.u32 $0x8, s12;
	s24 =	sor.u32 $0x10, s12  }
0xc: {  	s16 =	sor.u32 $0x8000, s26;
	s18 =	sor.u32 $0x8008, s26;
	s20 =	sadd.s32 s26, s10  }
0xd: {  	s21 =	sor.u32 $0x8010, s26;
	s5 =	sor.u32 s7, s5;
	s23 =	sshrl.u32 s9, $0x1  }
0xe: {  	s14 =	sadd.s32 s0, s13;
	s13 =	sadd.s32 s10, s13;
	[dreg:$0x5] =	wrdreg s20  }
0xf: {  	s25 =	sadd.s32 s0, s24;
	s17 =	sadd.s32 s0, s16;
	[dreg:$0x7] =	wrdreg s14  }
0x10: {  	s19 =	sadd.s32 s0, s18;
	s22 =	sadd.s32 s0, s21;
	[dreg:$0x8] =	wrdreg s13  }
0x11: {  	s7 =	simm.s32 $0x4400;
	s11 =	smul.u32 $0x4F0, s5;
	[dreg:$0x9] =	wrdreg s25  }
0x12: {  	s9 =	ssub.s32 s9, s23;
	s5 =	sadd.s32 s10, s12;
	[dreg:$0xd] =	wrdreg s17  }
0x13: {  	s12 =	sor.u32 $0x18, s12;
	s13 =	sadd.s32 s10, s24;
	[dreg:$0xf] =	wrdreg s19  }
0x14: {  	[dreg:$0x11] =	wrdreg s22;
	s23 =	sor.u32 $0x8018, s26;
	s8 =	sadd.s32 s8, s6  }
0x15: {  	s14 =	simm.s32 $0x3;
	[dreg:$0xa] =	wrdreg s13;
	s15 =	sadd.s32 s0, s12  }
0x16: {  	s12 =	sadd.s32 s10, s12;
	s13 =	sadd.s32 s10, s16;
	[dreg:$0xb] =	wrdreg s15  }
0x17: {  	s24 =	sadd.s32 s0, s23;
	s0 =	sadd.s32 s26, s0;
	[dreg:$0xc] =	wrdreg s12  }
0x18: {  	s26 =	sadd.s32 $0x32C00, s8;
	s8 =	simm.s32 $0x180;
	[dreg:$0xe] =	wrdreg s13  }
0x19: {  	s16 =	simm.s32 $0x0;
	s12 =	sadd.s32 s10, s18;
	[dreg:$0x14] =	wrdreg s24  }
0x1a: {  	s25 =	sadd.s32 s11, s6;
	s6 =	sadd.s32 $0xB400, s6;
	[dreg:$0x16] =	wrdreg s26  }
0x1b: {  	[dreg:$0x6] =	wrdreg s0;
	s24 =	simm.s32 $0x5;
	s26 =	simm.s32 $0x40  }
0x1c: {  	s0 =	simm.s32 $0x100;
	s11 =	simm.s32 $0x1;
	s13 =	simm.s32 $0x2  }
.Ltmp0:
0x1d: {  	s15 =	simm.s32 $0x4;
	[dreg:$0x10] =	wrdreg s12;
	(pc) =	sbr.rel .LBB2_1-.Ltmp0, $4  }
0x1e: {  	s12 =	sadd.s32 s10, s21;
	s10 =	sadd.s32 s10, s23;
	[dreg:$0x15] =	wrdreg s6  }
0x1f: {  	s22 =	sadd.s32 $0x81C00, s25;
	s23 =	smax.u32 s9, $0x1;
	s25 =	simm.s32 $0x200  }
0x20: {  	s6 =	simm.s32 $0x300;
	s9 =	simm.s32 $0x380;
	[dreg:$0x12] =	wrdreg s12  }
0x21: {  	v0 =	vimm.f32 $0.0e+00;
	v1 =	vimm.f32 $1.000000000e+00;
	[dreg:$0x13] =	wrdreg s10;
	s10 =	simm.s32 $0x6400;
	s12 =	simm.s32 $0x8400  }
.LBB2_8:
0x22: {  	_ =	swait.ge [sflag:s11], $0x2000  }
0x23: {  	[sflag:s11] =	ssyncset.done $0x0  }
0x24: {  	[sflag:s11] =	ssyncadd.s32 $0xFFFFE000  }
0x25: {  	[spmem:s2] =	stream.indirect.scatter.add.f32 [tilespmem:s28], [sflag:$0x5], $0x80, s25, s26, $0xb8;
	[tilespmem:$0x1E780] =	vst v63  }
0x26: {  	_ =	swait.ge [sflag:s24], $0x2000  }
0x27: {  	[sflag:s24] =	ssyncset.done $0x0  }
0x28: {  	[sflag:s24] =	ssyncadd.s32 $0xFFFFE000  }
0x29: {  	v2 =	vld [tilespmem:$0x200];
	_ =	sdelay $0x7  }
0x2a: {  	[tilespmem:v2+s12+$0x0] =	vst.idx.add.f32.msk $0xffff, v1  }
0x2b: {  	v2 =	vld [tilespmem:$0x210];
	_ =	sdelay $0x7  }
0x2c: {  	[tilespmem:v2+s12+$0x0] =	vst.idx.add.f32.msk $0xffff, v1  }
0x2d: {  	v2 =	vld [tilespmem:$0x220];
	_ =	sdelay $0x7  }
0x2e: {  	[tilespmem:v2+s12+$0x0] =	vst.idx.add.f32.msk $0xffff, v1  }
0x2f: {  	v2 =	vld [tilespmem:$0x230];
	_ =	sdelay $0x7  }
0x30: {  	[tilespmem:v2+s12+$0x0] =	vst.idx.add.f32.msk $0xffff, v1  }
0x31: {  	_ =	swait.ge [sflag:s13], $0x2000  }
0x32: {  	[sflag:s13] =	ssyncset.done $0x0  }
0x33: {  	[sflag:s13] =	ssyncadd.s32 $0xFFFFE000  }
0x34: {  	[spmem:s2] =	stream.indirect.scatter.add.f32 [tilespmem:s31], [sflag:$0x5], $0x80, s30, s26, $0xb8;
	[tilespmem:$0x1E780] =	vst v63  }
0x35: {  	_ =	swait.ge [sflag:s24], $0x2000  }
0x36: {  	[sflag:s24] =	ssyncset.done $0x0  }
0x37: {  	[sflag:s24] =	ssyncadd.s32 $0xFFFFE000  }
0x38: {  	v2 =	vld [tilespmem:$0x280];
	_ =	sdelay $0x7  }
0x39: {  	[tilespmem:v2+s12+$0x0] =	vst.idx.add.f32.msk $0xffff, v1  }
0x3a: {  	v2 =	vld [tilespmem:$0x290];
	_ =	sdelay $0x7  }
0x3b: {  	[tilespmem:v2+s12+$0x0] =	vst.idx.add.f32.msk $0xffff, v1  }
0x3c: {  	v2 =	vld [tilespmem:$0x2A0];
	_ =	sdelay $0x7  }
0x3d: {  	[tilespmem:v2+s12+$0x0] =	vst.idx.add.f32.msk $0xffff, v1  }
0x3e: {  	v2 =	vld [tilespmem:$0x2B0];
	_ =	sdelay $0x7  }
0x3f: {  	[tilespmem:v2+s12+$0x0] =	vst.idx.add.f32.msk $0xffff, v1  }
0x40: {  	_ =	swait.ge [sflag:s14], $0x2000  }
0x41: {  	[sflag:s14] =	ssyncset.done $0x0  }
0x42: {  	[sflag:s14] =	ssyncadd.s32 $0xFFFFE000  }
0x43: {  	[spmem:s2] =	stream.indirect.scatter.add.f32 [tilespmem:s7], [sflag:$0x5], $0x80, s6, s26, $0xb8;
	[tilespmem:$0x1E780] =	vst v63  }
0x44: {  	_ =	swait.ge [sflag:s24], $0x2000  }
0x45: {  	[sflag:s24] =	ssyncset.done $0x0  }
0x46: {  	[sflag:s24] =	ssyncadd.s32 $0xFFFFE000  }
0x47: {  	v2 =	vld [tilespmem:$0x300];
	_ =	sdelay $0x7  }
0x48: {  	[tilespmem:v2+s12+$0x0] =	vst.idx.add.f32.msk $0xffff, v1  }
0x49: {  	v2 =	vld [tilespmem:$0x310];
	_ =	sdelay $0x7  }
0x4a: {  	[tilespmem:v2+s12+$0x0] =	vst.idx.add.f32.msk $0xffff, v1  }
0x4b: {  	v2 =	vld [tilespmem:$0x320];
	_ =	sdelay $0x7  }
0x4c: {  	[tilespmem:v2+s12+$0x0] =	vst.idx.add.f32.msk $0xffff, v1  }
0x4d: {  	v2 =	vld [tilespmem:$0x330];
	_ =	sdelay $0x7  }
0x4e: {  	[tilespmem:v2+s12+$0x0] =	vst.idx.add.f32.msk $0xffff, v1  }
0x4f: {  	_ =	swait.ge [sflag:s15], $0x2000  }
0x50: {  	[sflag:s15] =	ssyncset.done $0x0  }
0x51: {  	[sflag:s15] =	ssyncadd.s32 $0xFFFFE000  }
0x52: {  	[spmem:s2] =	stream.indirect.scatter.add.f32 [tilespmem:s10], [sflag:$0x5], $0x80, s9, s26, $0xb8;
	[tilespmem:$0x1E780] =	vst v63  }
0x53: {  	_ =	swait.ge [sflag:s24], $0x2000  }
0x54: {  	[sflag:s24] =	ssyncset.done $0x0  }
0x55: {  	[sflag:s24] =	ssyncadd.s32 $0xFFFFE000  }
0x56: {  	v2 =	vld [tilespmem:$0x380];
	_ =	sdelay $0x7  }
0x57: {  	[tilespmem:v2+s12+$0x0] =	vst.idx.add.f32.msk $0xffff, v1  }
0x58: {  	v2 =	vld [tilespmem:$0x390];
	_ =	sdelay $0x7  }
0x59: {  	[tilespmem:v2+s12+$0x0] =	vst.idx.add.f32.msk $0xffff, v1  }
0x5a: {  	v2 =	vld [tilespmem:$0x3A0];
	_ =	sdelay $0x7  }
0x5b: {  	[tilespmem:v2+s12+$0x0] =	vst.idx.add.f32.msk $0xffff, v1  }
0x5c: {  	v2 =	vld [tilespmem:$0x3B0];
	_ =	sdelay $0x7  }
0x5d: {  	[tilespmem:v2+s12+$0x0] =	vst.idx.add.f32.msk $0xffff, v1  }
0x5e: {  	[bflag:$0x0] =	sbarrier.arrive $0xFFFF  }
0x5f: {  	s18 =	simm.s32 @!p1 $0x1C05;
	s19 =	rddreg [dreg:$0x16]  }
0x60: {  	[hbm:s19], [sflag:s18] =	dma.local @!p1 [spmem:s17], $0x27800  }
0x61: {  	s17 =	simm.s32 @!p1 $0x5  }
0x62: {  	s16 =	sadd.s32 $0x1, s16;
	_ =	swait.ge @!p1 [sflag:s17], $0x27800  }
0x63: {  	p2 =	sne.s32 s16, s23;
	[sflag:s17] =	ssyncset.done @!p1 $0x0  }
.Ltmp1:
0x64: {  	[sflag:s17] =	ssyncadd.s32 @!p1 $0xFFFD8800;
	(pc) =	sbr.rel @!p2 .LBB2_9-.Ltmp1, $4  }
0x65: {  	[hbm4b:s22+s3] =	stream.linear.scatter [tilespmem:s12], [sflag:$0x5], $0x2780, $0x38;
	[tilespmem:$0x1E780] =	vst v63  }
0x66: {  	_ =	swait.ge [sflag:s24], $0x2780  }
0x67: {  	[sflag:s24] =	ssyncset.done $0x0  }
0x68: {  	[sflag:s24] =	ssyncadd.s32 $0xFFFFD880  }
.LBB2_1:
0x69: {  	s17 =	sshrl.u32 @!p1 s2, $0x3;
	s18 =	simm.s32 @!p1 $0x1C05;
	s19 =	rddreg [dreg:$0x15]  }
0x6a: {  	[spmem:s17], [sflag:s18] =	dma.local @!p1 [hbm:s19], $0x27800  }
0x6b: {  	s18 =	simm.s32 @!p1 $0x5  }
0x6c: {  	_ =	swait.ge @!p1 [sflag:s18], $0x27800  }
0x6d: {  	[sflag:s18] =	ssyncset.done @!p1 $0x0  }
0x6e: {  	s19 =	simm.s32 $0x0;
	[sflag:s18] =	ssyncadd.s32 @!p1 $0xFFFD8800;
	s18 =	simm.s32 $0x40  }
.LBB2_2:
0x6f: {  	p2 =	sne.s32 s18, $0x9DC0;
	[tilespmem:s19+$0x8400] =	vst v0;
	s19 =	smov.u32 s18;
	s18 =	sadd.s32 $0x40, s18  }
.Ltmp2:
0x70: {  	(pc) =	sbr.rel @p2 .LBB2_2-.Ltmp2, $2  }
0x71: {  	_ =	sdelay $0x2  }
0x72: {  	s19 =	sshra.s32 s19, $0x2  }
.Ltmp3:
0x73: {  	(pc) =	sbr.rel @!p0 .LBB2_4-.Ltmp3, $4  }
0x74: {  	_ = 	snop  }
0x75: {  	[tilespmem:s19+$0x8400] =	vst v0  }
0x76: {  	[bflag:$0x0] =	sbarrier.arrive $0xFFFF  }
0x77: {  	s18 =	simm.s32 $0x0  }
0x78: {  	s19 =	rddreg [dreg:$0xd]  }
0x79: {  	[tilespmem:s18], [sflag:$0x5] =	stream.linear.gather [hbm4b:s19+s18], $0x40, $0x38;
	[tilespmem:$0x1E780] =	vst v63  }
0x7a: {  	_ =	swait.ge [sflag:s24], $0x40  }
0x7b: {  	[sflag:s24] =	ssyncset.done $0x0  }
0x7c: {  	s21 =	rddreg [dreg:$0xe];
	[sflag:s24] =	ssyncadd.s32 $0xFFFFFFC0  }
0x7d: {  	[tilespmem:s25], [sflag:$0x5] =	stream.linear.gather [hbm4b:s21+s18], $0x40, $0x38;
	[tilespmem:$0x1E780] =	vst v63  }
0x7e: {  	_ =	swait.ge [sflag:s24], $0x40  }
0x7f: {  	[sflag:s24] =	ssyncset.done $0x0  }
0x80: {  	[sflag:s24] =	ssyncadd.s32 $0xFFFFFFC0  }
0x81: {  	[tilespmem:s28], [sflag:$0x1] =	stream.indirect.gather [hbm4b:s1+s26], $0x80, s18, s26, $0xb8;
	[tilespmem:$0x1E780] =	vst v63  }
0x82: {  	s20 =	rddreg [dreg:$0xf]  }
0x83: {  	[tilespmem:s29], [sflag:$0x5] =	stream.linear.gather [hbm4b:s20+s18], $0x40, $0x38;
	[tilespmem:$0x1E780] =	vst v63  }
0x84: {  	_ =	swait.ge [sflag:s24], $0x40  }
0x85: {  	[sflag:s24] =	ssyncset.done $0x0  }
0x86: {  	s21 =	rddreg [dreg:$0x10];
	[sflag:s24] =	ssyncadd.s32 $0xFFFFFFC0  }
0x87: {  	[tilespmem:s30], [sflag:$0x5] =	stream.linear.gather [hbm4b:s21+s18], $0x40, $0x38;
	[tilespmem:$0x1E780] =	vst v63  }
0x88: {  	_ =	swait.ge [sflag:s24], $0x40  }
0x89: {  	[sflag:s24] =	ssyncset.done $0x0  }
0x8a: {  	[sflag:s24] =	ssyncadd.s32 $0xFFFFFFC0  }
0x8b: {  	[tilespmem:s31], [sflag:$0x2] =	stream.indirect.gather [hbm4b:s1+s26], $0x80, s29, s26, $0xb8;
	[tilespmem:$0x1E780] =	vst v63  }
0x8c: {  	s20 =	rddreg [dreg:$0x11]  }
0x8d: {  	[tilespmem:s0], [sflag:$0x5] =	stream.linear.gather [hbm4b:s20+s18], $0x40, $0x38;
	[tilespmem:$0x1E780] =	vst v63  }
0x8e: {  	_ =	swait.ge [sflag:s24], $0x40  }
0x8f: {  	[sflag:s24] =	ssyncset.done $0x0  }
0x90: {  	s21 =	rddreg [dreg:$0x12];
	[sflag:s24] =	ssyncadd.s32 $0xFFFFFFC0  }
0x91: {  	[tilespmem:s6], [sflag:$0x5] =	stream.linear.gather [hbm4b:s21+s18], $0x40, $0x38;
	[tilespmem:$0x1E780] =	vst v63  }
0x92: {  	_ =	swait.ge [sflag:s24], $0x40  }
0x93: {  	[sflag:s24] =	ssyncset.done $0x0  }
0x94: {  	[sflag:s24] =	ssyncadd.s32 $0xFFFFFFC0  }
0x95: {  	[tilespmem:s7], [sflag:$0x3] =	stream.indirect.gather [hbm4b:s1+s26], $0x80, s0, s26, $0xb8;
	[tilespmem:$0x1E780] =	vst v63  }
0x96: {  	s20 =	rddreg [dreg:$0x14]  }
0x97: {  	[tilespmem:s8], [sflag:$0x5] =	stream.linear.gather [hbm4b:s20+s18], $0x40, $0x38;
	[tilespmem:$0x1E780] =	vst v63  }
0x98: {  	_ =	swait.ge [sflag:s24], $0x40  }
0x99: {  	[sflag:s24] =	ssyncset.done $0x0  }
0x9a: {  	s21 =	rddreg [dreg:$0x13];
	[sflag:s24] =	ssyncadd.s32 $0xFFFFFFC0  }
0x9b: {  	[tilespmem:s9], [sflag:$0x5] =	stream.linear.gather [hbm4b:s21+s18], $0x40, $0x38;
	[tilespmem:$0x1E780] =	vst v63  }
0x9c: {  	_ =	swait.ge [sflag:s24], $0x40  }
0x9d: {  	[sflag:s24] =	ssyncset.done $0x0  }
0x9e: {  	[sflag:s24] =	ssyncadd.s32 $0xFFFFFFC0  }
0x9f: {  	[tilespmem:s10], [sflag:$0x4] =	stream.indirect.gather [hbm4b:s1+s26], $0x80, s8, s26, $0xb8;
	[tilespmem:$0x1E780] =	vst v63  }
.LBB2_7:
0xa0: {  	_ =	swait.ge [sflag:s11], $0x2000  }
0xa1: {  	[sflag:s11] =	ssyncset.done $0x0  }
0xa2: {  	[sflag:s11] =	ssyncadd.s32 $0xFFFFE000  }
0xa3: {  	[spmem:s2] =	stream.indirect.scatter.add.f32 [tilespmem:s28], [sflag:$0x5], $0x80, s25, s26, $0xb8;
	[tilespmem:$0x1E780] =	vst v63  }
0xa4: {  	_ =	swait.ge [sflag:s24], $0x2000  }
0xa5: {  	[sflag:s24] =	ssyncset.done $0x0  }
0xa6: {  	[sflag:s24] =	ssyncadd.s32 $0xFFFFE000  }
0xa7: {  	v2 =	vld [tilespmem:$0x200];
	_ =	sdelay $0x7  }
0xa8: {  	[tilespmem:v2+s12+$0x0] =	vst.idx.add.f32.msk $0xffff, v1  }
0xa9: {  	v2 =	vld [tilespmem:$0x210];
	_ =	sdelay $0x7  }
0xaa: {  	[tilespmem:v2+s12+$0x0] =	vst.idx.add.f32.msk $0xffff, v1  }
0xab: {  	v2 =	vld [tilespmem:$0x220];
	_ =	sdelay $0x7  }
0xac: {  	[tilespmem:v2+s12+$0x0] =	vst.idx.add.f32.msk $0xffff, v1  }
0xad: {  	v2 =	vld [tilespmem:$0x230];
	_ =	sdelay $0x5  }
0xae: {  	s19 =	rddreg [dreg:$0x6]  }
0xaf: {  	s19 =	sadd.s32 s18, s19  }
0xb0: {  	s20 =	sadd.s32 $0x8020, s19;
	[tilespmem:v2+s12+$0x0] =	vst.idx.add.f32.msk $0xffff, v1  }
0xb1: {  	[tilespmem:s3], [sflag:$0x5] =	stream.linear.gather [hbm4b:s20+s3], $0x40, $0x38;
	[tilespmem:$0x1E780] =	vst v63  }
0xb2: {  	_ =	swait.ge [sflag:s24], $0x40  }
0xb3: {  	s21 =	rddreg [dreg:$0x5]  }
0xb4: {  	[sflag:s24] =	ssyncset.done $0x0;
	s20 =	sadd.s32 s18, s21  }
0xb5: {  	[sflag:s24] =	ssyncadd.s32 $0xFFFFFFC0;
	s21 =	sadd.s32 $0x8020, s20  }
0xb6: {  	[tilespmem:s25], [sflag:$0x5] =	stream.linear.gather [hbm4b:s21+s3], $0x40, $0x38;
	[tilespmem:$0x1E780] =	vst v63  }
0xb7: {  	_ =	swait.ge [sflag:s24], $0x40  }
0xb8: {  	[sflag:s24] =	ssyncset.done $0x0  }
0xb9: {  	[sflag:s24] =	ssyncadd.s32 $0xFFFFFFC0  }
0xba: {  	[tilespmem:s28], [sflag:$0x1] =	stream.indirect.gather [hbm4b:s1+s26], $0x80, s3, s26, $0xb8;
	[tilespmem:$0x1E780] =	vst v63  }
0xbb: {  	_ =	swait.ge [sflag:s13], $0x2000  }
0xbc: {  	[sflag:s13] =	ssyncset.done $0x0  }
0xbd: {  	[sflag:s13] =	ssyncadd.s32 $0xFFFFE000  }
0xbe: {  	[spmem:s2] =	stream.indirect.scatter.add.f32 [tilespmem:s31], [sflag:$0x5], $0x80, s30, s26, $0xb8;
	[tilespmem:$0x1E780] =	vst v63  }
0xbf: {  	_ =	swait.ge [sflag:s24], $0x2000  }
0xc0: {  	[sflag:s24] =	ssyncset.done $0x0  }
0xc1: {  	[sflag:s24] =	ssyncadd.s32 $0xFFFFE000  }
0xc2: {  	v2 =	vld [tilespmem:$0x280];
	_ =	sdelay $0x7  }
0xc3: {  	[tilespmem:v2+s12+$0x0] =	vst.idx.add.f32.msk $0xffff, v1  }
0xc4: {  	v2 =	vld [tilespmem:$0x290];
	_ =	sdelay $0x7  }
0xc5: {  	[tilespmem:v2+s12+$0x0] =	vst.idx.add.f32.msk $0xffff, v1  }
0xc6: {  	v2 =	vld [tilespmem:$0x2A0];
	_ =	sdelay $0x7  }
0xc7: {  	[tilespmem:v2+s12+$0x0] =	vst.idx.add.f32.msk $0xffff, v1  }
0xc8: {  	v2 =	vld [tilespmem:$0x2B0];
	_ =	sdelay $0x7  }
0xc9: {  	s21 =	sadd.s32 $0x8028, s19;
	[tilespmem:v2+s12+$0x0] =	vst.idx.add.f32.msk $0xffff, v1  }
0xca: {  	[tilespmem:s29], [sflag:$0x5] =	stream.linear.gather [hbm4b:s21+s3], $0x40, $0x38;
	[tilespmem:$0x1E780] =	vst v63  }
0xcb: {  	_ =	swait.ge [sflag:s24], $0x40  }
0xcc: {  	[sflag:s24] =	ssyncset.done $0x0  }
0xcd: {  	s21 =	sadd.s32 $0x8028, s20;
	[sflag:s24] =	ssyncadd.s32 $0xFFFFFFC0  }
0xce: {  	[tilespmem:s30], [sflag:$0x5] =	stream.linear.gather [hbm4b:s21+s3], $0x40, $0x38;
	[tilespmem:$0x1E780] =	vst v63  }
0xcf: {  	_ =	swait.ge [sflag:s24], $0x40  }
0xd0: {  	[sflag:s24] =	ssyncset.done $0x0  }
0xd1: {  	[sflag:s24] =	ssyncadd.s32 $0xFFFFFFC0  }
0xd2: {  	[tilespmem:s31], [sflag:$0x2] =	stream.indirect.gather [hbm4b:s1+s26], $0x80, s29, s26, $0xb8;
	[tilespmem:$0x1E780] =	vst v63  }
0xd3: {  	_ =	swait.ge [sflag:s14], $0x2000  }
0xd4: {  	[sflag:s14] =	ssyncset.done $0x0  }
0xd5: {  	[sflag:s14] =	ssyncadd.s32 $0xFFFFE000  }
0xd6: {  	[spmem:s2] =	stream.indirect.scatter.add.f32 [tilespmem:s7], [sflag:$0x5], $0x80, s6, s26, $0xb8;
	[tilespmem:$0x1E780] =	vst v63  }
0xd7: {  	_ =	swait.ge [sflag:s24], $0x2000  }
0xd8: {  	[sflag:s24] =	ssyncset.done $0x0  }
0xd9: {  	[sflag:s24] =	ssyncadd.s32 $0xFFFFE000  }
0xda: {  	v2 =	vld [tilespmem:$0x300];
	_ =	sdelay $0x7  }
0xdb: {  	[tilespmem:v2+s12+$0x0] =	vst.idx.add.f32.msk $0xffff, v1  }
0xdc: {  	v2 =	vld [tilespmem:$0x310];
	_ =	sdelay $0x7  }
0xdd: {  	[tilespmem:v2+s12+$0x0] =	vst.idx.add.f32.msk $0xffff, v1  }
0xde: {  	v2 =	vld [tilespmem:$0x320];
	_ =	sdelay $0x7  }
0xdf: {  	[tilespmem:v2+s12+$0x0] =	vst.idx.add.f32.msk $0xffff, v1  }
0xe0: {  	v2 =	vld [tilespmem:$0x330];
	_ =	sdelay $0x7  }
0xe1: {  	s21 =	sadd.s32 $0x8030, s19;
	[tilespmem:v2+s12+$0x0] =	vst.idx.add.f32.msk $0xffff, v1  }
0xe2: {  	[tilespmem:s0], [sflag:$0x5] =	stream.linear.gather [hbm4b:s21+s3], $0x40, $0x38;
	[tilespmem:$0x1E780] =	vst v63  }
0xe3: {  	_ =	swait.ge [sflag:s24], $0x40  }
0xe4: {  	[sflag:s24] =	ssyncset.done $0x0  }
0xe5: {  	s21 =	sadd.s32 $0x8030, s20;
	[sflag:s24] =	ssyncadd.s32 $0xFFFFFFC0  }
0xe6: {  	[tilespmem:s6], [sflag:$0x5] =	stream.linear.gather [hbm4b:s21+s3], $0x40, $0x38;
	[tilespmem:$0x1E780] =	vst v63  }
0xe7: {  	_ =	swait.ge [sflag:s24], $0x40  }
0xe8: {  	[sflag:s24] =	ssyncset.done $0x0  }
0xe9: {  	[sflag:s24] =	ssyncadd.s32 $0xFFFFFFC0  }
0xea: {  	[tilespmem:s7], [sflag:$0x3] =	stream.indirect.gather [hbm4b:s1+s26], $0x80, s0, s26, $0xb8;
	[tilespmem:$0x1E780] =	vst v63  }
0xeb: {  	_ =	swait.ge [sflag:s15], $0x2000  }
0xec: {  	[sflag:s15] =	ssyncset.done $0x0  }
0xed: {  	[sflag:s15] =	ssyncadd.s32 $0xFFFFE000  }
0xee: {  	[spmem:s2] =	stream.indirect.scatter.add.f32 [tilespmem:s10], [sflag:$0x5], $0x80, s9, s26, $0xb8;
	[tilespmem:$0x1E780] =	vst v63  }
0xef: {  	_ =	swait.ge [sflag:s24], $0x2000  }
0xf0: {  	[sflag:s24] =	ssyncset.done $0x0  }
0xf1: {  	[sflag:s24] =	ssyncadd.s32 $0xFFFFE000  }
0xf2: {  	v2 =	vld [tilespmem:$0x380];
	_ =	sdelay $0x7  }
0xf3: {  	[tilespmem:v2+s12+$0x0] =	vst.idx.add.f32.msk $0xffff, v1  }
0xf4: {  	v2 =	vld [tilespmem:$0x390];
	_ =	sdelay $0x7  }
0xf5: {  	[tilespmem:v2+s12+$0x0] =	vst.idx.add.f32.msk $0xffff, v1  }
0xf6: {  	v2 =	vld [tilespmem:$0x3A0];
	_ =	sdelay $0x7  }
0xf7: {  	[tilespmem:v2+s12+$0x0] =	vst.idx.add.f32.msk $0xffff, v1  }
0xf8: {  	v2 =	vld [tilespmem:$0x3B0];
	_ =	sdelay $0x7  }
0xf9: {  	s19 =	sadd.s32 $0x8038, s19;
	[tilespmem:v2+s12+$0x0] =	vst.idx.add.f32.msk $0xffff, v1  }
0xfa: {  	[tilespmem:s8], [sflag:$0x5] =	stream.linear.gather [hbm4b:s19+s3], $0x40, $0x38;
	[tilespmem:$0x1E780] =	vst v63  }
0xfb: {  	_ =	swait.ge [sflag:s24], $0x40  }
0xfc: {  	[sflag:s24] =	ssyncset.done $0x0  }
0xfd: {  	p2 =	sne.s32 s18, $0x1C0;
	s21 =	sadd.s32 $0x8038, s20;
	[sflag:s24] =	ssyncadd.s32 $0xFFFFFFC0  }
0xfe: {  	[tilespmem:s9], [sflag:$0x5] =	stream.linear.gather [hbm4b:s21+s3], $0x40, $0x38;
	[tilespmem:$0x1E780] =	vst v63  }
.Ltmp4:
0xff: {  	_ = 	snop;
	(pc) =	sbr.rel @p2 .LBB2_7-.Ltmp4, $4  }
0x100: {  	_ =	swait.ge [sflag:s24], $0x40  }
0x101: {  	[sflag:s24] =	ssyncset.done $0x0  }
0x102: {  	s18 =	sadd.s32 $0x20, s18;
	[sflag:s24] =	ssyncadd.s32 $0xFFFFFFC0  }
0x103: {  	[tilespmem:s10], [sflag:$0x4] =	stream.indirect.gather [hbm4b:s1+s26], $0x80, s8, s26, $0xb8;
	[tilespmem:$0x1E780] =	vst v63  }
.Ltmp5:
0x104: {  	_ = 	snop;
	(pc) =	sbr.rel .LBB2_8-.Ltmp5, $1  }
0x105: {  	_ =	sdelay $0x3  }
.LBB2_4:
0x106: {  	[tilespmem:s18], [sflag:$0x5] =	stream.linear.gather [hbm4b:s4+s18], $0x40, $0x38;
	[tilespmem:$0x1E780] =	vst v63  }
0x107: {  	_ =	swait.ge [sflag:s24], $0x40  }
0x108: {  	[sflag:s24] =	ssyncset.done $0x0  }
0x109: {  	[sflag:s24] =	ssyncadd.s32 $0xFFFFFFC0  }
0x10a: {  	[tilespmem:s25], [sflag:$0x5] =	stream.linear.gather [hbm4b:s5+s18], $0x40, $0x38;
	[tilespmem:$0x1E780] =	vst v63  }
0x10b: {  	_ =	swait.ge [sflag:s24], $0x40  }
0x10c: {  	[sflag:s24] =	ssyncset.done $0x0  }
0x10d: {  	[sflag:s24] =	ssyncadd.s32 $0xFFFFFFC0  }
0x10e: {  	[tilespmem:s28], [sflag:$0x1] =	stream.indirect.gather [hbm4b:s1+s26], $0x80, s18, s26, $0xb8;
	[tilespmem:$0x1E780] =	vst v63  }
0x10f: {  	s19 =	rddreg [dreg:$0x7]  }
0x110: {  	[tilespmem:s29], [sflag:$0x5] =	stream.linear.gather [hbm4b:s19+s18], $0x40, $0x38;
	[tilespmem:$0x1E780] =	vst v63  }
0x111: {  	_ =	swait.ge [sflag:s24], $0x40  }
0x112: {  	[sflag:s24] =	ssyncset.done $0x0  }
0x113: {  	s21 =	rddreg [dreg:$0x8];
	[sflag:s24] =	ssyncadd.s32 $0xFFFFFFC0  }
0x114: {  	[tilespmem:s30], [sflag:$0x5] =	stream.linear.gather [hbm4b:s21+s18], $0x40, $0x38;
	[tilespmem:$0x1E780] =	vst v63  }
0x115: {  	_ =	swait.ge [sflag:s24], $0x40  }
0x116: {  	[sflag:s24] =	ssyncset.done $0x0  }
0x117: {  	[sflag:s24] =	ssyncadd.s32 $0xFFFFFFC0  }
0x118: {  	[tilespmem:s31], [sflag:$0x2] =	stream.indirect.gather [hbm4b:s1+s26], $0x80, s29, s26, $0xb8;
	[tilespmem:$0x1E780] =	vst v63  }
0x119: {  	s20 =	rddreg [dreg:$0x9]  }
0x11a: {  	[tilespmem:s0], [sflag:$0x5] =	stream.linear.gather [hbm4b:s20+s18], $0x40, $0x38;
	[tilespmem:$0x1E780] =	vst v63  }
0x11b: {  	_ =	swait.ge [sflag:s24], $0x40  }
0x11c: {  	[sflag:s24] =	ssyncset.done $0x0  }
0x11d: {  	s21 =	rddreg [dreg:$0xa];
	[sflag:s24] =	ssyncadd.s32 $0xFFFFFFC0  }
0x11e: {  	[tilespmem:s6], [sflag:$0x5] =	stream.linear.gather [hbm4b:s21+s18], $0x40, $0x38;
	[tilespmem:$0x1E780] =	vst v63  }
0x11f: {  	_ =	swait.ge [sflag:s24], $0x40  }
0x120: {  	[sflag:s24] =	ssyncset.done $0x0  }
0x121: {  	[sflag:s24] =	ssyncadd.s32 $0xFFFFFFC0  }
0x122: {  	[tilespmem:s7], [sflag:$0x3] =	stream.indirect.gather [hbm4b:s1+s26], $0x80, s0, s26, $0xb8;
	[tilespmem:$0x1E780] =	vst v63  }
0x123: {  	s20 =	rddreg [dreg:$0xb]  }
0x124: {  	[tilespmem:s8], [sflag:$0x5] =	stream.linear.gather [hbm4b:s20+s18], $0x40, $0x38;
	[tilespmem:$0x1E780] =	vst v63  }
0x125: {  	_ =	swait.ge [sflag:s24], $0x40  }
0x126: {  	[sflag:s24] =	ssyncset.done $0x0  }
0x127: {  	s21 =	rddreg [dreg:$0xc];
	[sflag:s24] =	ssyncadd.s32 $0xFFFFFFC0  }
0x128: {  	[tilespmem:s9], [sflag:$0x5] =	stream.linear.gather [hbm4b:s21+s18], $0x40, $0x38;
	[tilespmem:$0x1E780] =	vst v63  }
0x129: {  	_ =	swait.ge [sflag:s24], $0x40  }
0x12a: {  	[sflag:s24] =	ssyncset.done $0x0  }
0x12b: {  	[sflag:s24] =	ssyncadd.s32 $0xFFFFFFC0  }
0x12c: {  	[tilespmem:s10], [sflag:$0x4] =	stream.indirect.gather [hbm4b:s1+s26], $0x80, s8, s26, $0xb8;
	[tilespmem:$0x1E780] =	vst v63  }
.LBB2_5:
0x12d: {  	_ =	swait.ge [sflag:s11], $0x2000  }
0x12e: {  	[sflag:s11] =	ssyncset.done $0x0  }
0x12f: {  	[sflag:s11] =	ssyncadd.s32 $0xFFFFE000  }
0x130: {  	[spmem:s2] =	stream.indirect.scatter.add.f32 [tilespmem:s28], [sflag:$0x5], $0x80, s25, s26, $0xb8;
	[tilespmem:$0x1E780] =	vst v63  }
0x131: {  	_ =	swait.ge [sflag:s24], $0x2000  }
0x132: {  	[sflag:s24] =	ssyncset.done $0x0  }
0x133: {  	[sflag:s24] =	ssyncadd.s32 $0xFFFFE000  }
0x134: {  	v2 =	vld [tilespmem:$0x200];
	_ =	sdelay $0x7  }
0x135: {  	[tilespmem:v2+s12+$0x0] =	vst.idx.add.f32.msk $0xffff, v1  }
0x136: {  	v2 =	vld [tilespmem:$0x210];
	_ =	sdelay $0x7  }
0x137: {  	[tilespmem:v2+s12+$0x0] =	vst.idx.add.f32.msk $0xffff, v1  }
0x138: {  	v2 =	vld [tilespmem:$0x220];
	_ =	sdelay $0x7  }
0x139: {  	[tilespmem:v2+s12+$0x0] =	vst.idx.add.f32.msk $0xffff, v1  }
0x13a: {  	v2 =	vld [tilespmem:$0x230];
	_ =	sdelay $0x6  }
0x13b: {  	s19 =	sadd.s32 s18, s4  }
0x13c: {  	s20 =	sadd.s32 $0x20, s19;
	[tilespmem:v2+s12+$0x0] =	vst.idx.add.f32.msk $0xffff, v1  }
0x13d: {  	[tilespmem:s3], [sflag:$0x5] =	stream.linear.gather [hbm4b:s20+s3], $0x40, $0x38;
	[tilespmem:$0x1E780] =	vst v63  }
0x13e: {  	_ =	swait.ge [sflag:s24], $0x40  }
0x13f: {  	s20 =	sadd.s32 s18, s5;
	[sflag:s24] =	ssyncset.done $0x0  }
0x140: {  	s21 =	sadd.s32 $0x20, s20;
	[sflag:s24] =	ssyncadd.s32 $0xFFFFFFC0  }
0x141: {  	[tilespmem:s25], [sflag:$0x5] =	stream.linear.gather [hbm4b:s21+s3], $0x40, $0x38;
	[tilespmem:$0x1E780] =	vst v63  }
0x142: {  	_ =	swait.ge [sflag:s24], $0x40  }
0x143: {  	[sflag:s24] =	ssyncset.done $0x0  }
0x144: {  	[sflag:s24] =	ssyncadd.s32 $0xFFFFFFC0  }
0x145: {  	[tilespmem:s28], [sflag:$0x1] =	stream.indirect.gather [hbm4b:s1+s26], $0x80, s3, s26, $0xb8;
	[tilespmem:$0x1E780] =	vst v63  }
0x146: {  	_ =	swait.ge [sflag:s13], $0x2000  }
0x147: {  	[sflag:s13] =	ssyncset.done $0x0  }
0x148: {  	[sflag:s13] =	ssyncadd.s32 $0xFFFFE000  }
0x149: {  	[spmem:s2] =	stream.indirect.scatter.add.f32 [tilespmem:s31], [sflag:$0x5], $0x80, s30, s26, $0xb8;
	[tilespmem:$0x1E780] =	vst v63  }
0x14a: {  	_ =	swait.ge [sflag:s24], $0x2000  }
0x14b: {  	[sflag:s24] =	ssyncset.done $0x0  }
0x14c: {  	[sflag:s24] =	ssyncadd.s32 $0xFFFFE000  }
0x14d: {  	v2 =	vld [tilespmem:$0x280];
	_ =	sdelay $0x7  }
0x14e: {  	[tilespmem:v2+s12+$0x0] =	vst.idx.add.f32.msk $0xffff, v1  }
0x14f: {  	v2 =	vld [tilespmem:$0x290];
	_ =	sdelay $0x7  }
0x150: {  	[tilespmem:v2+s12+$0x0] =	vst.idx.add.f32.msk $0xffff, v1  }
0x151: {  	v2 =	vld [tilespmem:$0x2A0];
	_ =	sdelay $0x7  }
0x152: {  	[tilespmem:v2+s12+$0x0] =	vst.idx.add.f32.msk $0xffff, v1  }
0x153: {  	v2 =	vld [tilespmem:$0x2B0];
	_ =	sdelay $0x7  }
0x154: {  	s21 =	sadd.s32 $0x28, s19;
	[tilespmem:v2+s12+$0x0] =	vst.idx.add.f32.msk $0xffff, v1  }
0x155: {  	[tilespmem:s29], [sflag:$0x5] =	stream.linear.gather [hbm4b:s21+s3], $0x40, $0x38;
	[tilespmem:$0x1E780] =	vst v63  }
0x156: {  	_ =	swait.ge [sflag:s24], $0x40  }
0x157: {  	[sflag:s24] =	ssyncset.done $0x0  }
0x158: {  	s21 =	sadd.s32 $0x28, s20;
	[sflag:s24] =	ssyncadd.s32 $0xFFFFFFC0  }
0x159: {  	[tilespmem:s30], [sflag:$0x5] =	stream.linear.gather [hbm4b:s21+s3], $0x40, $0x38;
	[tilespmem:$0x1E780] =	vst v63  }
0x15a: {  	_ =	swait.ge [sflag:s24], $0x40  }
0x15b: {  	[sflag:s24] =	ssyncset.done $0x0  }
0x15c: {  	[sflag:s24] =	ssyncadd.s32 $0xFFFFFFC0  }
0x15d: {  	[tilespmem:s31], [sflag:$0x2] =	stream.indirect.gather [hbm4b:s1+s26], $0x80, s29, s26, $0xb8;
	[tilespmem:$0x1E780] =	vst v63  }
0x15e: {  	_ =	swait.ge [sflag:s14], $0x2000  }
0x15f: {  	[sflag:s14] =	ssyncset.done $0x0  }
0x160: {  	[sflag:s14] =	ssyncadd.s32 $0xFFFFE000  }
0x161: {  	[spmem:s2] =	stream.indirect.scatter.add.f32 [tilespmem:s7], [sflag:$0x5], $0x80, s6, s26, $0xb8;
	[tilespmem:$0x1E780] =	vst v63  }
0x162: {  	_ =	swait.ge [sflag:s24], $0x2000  }
0x163: {  	[sflag:s24] =	ssyncset.done $0x0  }
0x164: {  	[sflag:s24] =	ssyncadd.s32 $0xFFFFE000  }
0x165: {  	v2 =	vld [tilespmem:$0x300];
	_ =	sdelay $0x7  }
0x166: {  	[tilespmem:v2+s12+$0x0] =	vst.idx.add.f32.msk $0xffff, v1  }
0x167: {  	v2 =	vld [tilespmem:$0x310];
	_ =	sdelay $0x7  }
0x168: {  	[tilespmem:v2+s12+$0x0] =	vst.idx.add.f32.msk $0xffff, v1  }
0x169: {  	v2 =	vld [tilespmem:$0x320];
	_ =	sdelay $0x7  }
0x16a: {  	[tilespmem:v2+s12+$0x0] =	vst.idx.add.f32.msk $0xffff, v1  }
0x16b: {  	v2 =	vld [tilespmem:$0x330];
	_ =	sdelay $0x7  }
0x16c: {  	s21 =	sadd.s32 $0x30, s19;
	[tilespmem:v2+s12+$0x0] =	vst.idx.add.f32.msk $0xffff, v1  }
0x16d: {  	[tilespmem:s0], [sflag:$0x5] =	stream.linear.gather [hbm4b:s21+s3], $0x40, $0x38;
	[tilespmem:$0x1E780] =	vst v63  }
0x16e: {  	_ =	swait.ge [sflag:s24], $0x40  }
0x16f: {  	[sflag:s24] =	ssyncset.done $0x0  }
0x170: {  	s21 =	sadd.s32 $0x30, s20;
	[sflag:s24] =	ssyncadd.s32 $0xFFFFFFC0  }
0x171: {  	[tilespmem:s6], [sflag:$0x5] =	stream.linear.gather [hbm4b:s21+s3], $0x40, $0x38;
	[tilespmem:$0x1E780] =	vst v63  }
0x172: {  	_ =	swait.ge [sflag:s24], $0x40  }
0x173: {  	[sflag:s24] =	ssyncset.done $0x0  }
0x174: {  	[sflag:s24] =	ssyncadd.s32 $0xFFFFFFC0  }
0x175: {  	[tilespmem:s7], [sflag:$0x3] =	stream.indirect.gather [hbm4b:s1+s26], $0x80, s0, s26, $0xb8;
	[tilespmem:$0x1E780] =	vst v63  }
0x176: {  	_ =	swait.ge [sflag:s15], $0x2000  }
0x177: {  	[sflag:s15] =	ssyncset.done $0x0  }
0x178: {  	[sflag:s15] =	ssyncadd.s32 $0xFFFFE000  }
0x179: {  	[spmem:s2] =	stream.indirect.scatter.add.f32 [tilespmem:s10], [sflag:$0x5], $0x80, s9, s26, $0xb8;
	[tilespmem:$0x1E780] =	vst v63  }
0x17a: {  	_ =	swait.ge [sflag:s24], $0x2000  }
0x17b: {  	[sflag:s24] =	ssyncset.done $0x0  }
0x17c: {  	[sflag:s24] =	ssyncadd.s32 $0xFFFFE000  }
0x17d: {  	v2 =	vld [tilespmem:$0x380];
	_ =	sdelay $0x7  }
0x17e: {  	[tilespmem:v2+s12+$0x0] =	vst.idx.add.f32.msk $0xffff, v1  }
0x17f: {  	v2 =	vld [tilespmem:$0x390];
	_ =	sdelay $0x7  }
0x180: {  	[tilespmem:v2+s12+$0x0] =	vst.idx.add.f32.msk $0xffff, v1  }
0x181: {  	v2 =	vld [tilespmem:$0x3A0];
	_ =	sdelay $0x7  }
0x182: {  	[tilespmem:v2+s12+$0x0] =	vst.idx.add.f32.msk $0xffff, v1  }
0x183: {  	v2 =	vld [tilespmem:$0x3B0];
	_ =	sdelay $0x7  }
0x184: {  	s19 =	sadd.s32 $0x38, s19;
	[tilespmem:v2+s12+$0x0] =	vst.idx.add.f32.msk $0xffff, v1  }
0x185: {  	[tilespmem:s8], [sflag:$0x5] =	stream.linear.gather [hbm4b:s19+s3], $0x40, $0x38;
	[tilespmem:$0x1E780] =	vst v63  }
0x186: {  	_ =	swait.ge [sflag:s24], $0x40  }
0x187: {  	[sflag:s24] =	ssyncset.done $0x0  }
0x188: {  	p2 =	seq.s32 s18, $0x7C0;
	s21 =	sadd.s32 $0x38, s20;
	[sflag:s24] =	ssyncadd.s32 $0xFFFFFFC0  }
0x189: {  	[tilespmem:s9], [sflag:$0x5] =	stream.linear.gather [hbm4b:s21+s3], $0x40, $0x38;
	[tilespmem:$0x1E780] =	vst v63  }
.Ltmp6:
0x18a: {  	_ = 	snop;
	(pc) =	sbr.rel @!p2 .LBB2_5-.Ltmp6, $4  }
0x18b: {  	_ =	swait.ge [sflag:s24], $0x40  }
0x18c: {  	[sflag:s24] =	ssyncset.done $0x0  }
0x18d: {  	s18 =	sadd.s32 $0x20, s18;
	[sflag:s24] =	ssyncadd.s32 $0xFFFFFFC0  }
0x18e: {  	[tilespmem:s10], [sflag:$0x4] =	stream.indirect.gather [hbm4b:s1+s26], $0x80, s8, s26, $0xb8;
	[tilespmem:$0x1E780] =	vst v63  }
.Ltmp7:
0x18f: {  	_ = 	snop;
	(pc) =	sbr.rel .LBB2_8-.Ltmp7, $1  }
0x190: {  	_ =	sdelay $0x3  }
.LBB2_9:
0x191: {  	_ =	sfence.sel $0x180000  }
0x192: {  	[bflag:$0x0] =	sbarrier.arrive $0xFFFF  }
0x193: {  	_ =	strace $0x90000047  }
0x194: {  	[bflag:$0x2] =	sbarrier.arrive $0xFFFF  }
0x195: {  	s0 =	rddreg [dreg:$0x4]  }
0x196: {  	s0 =	sadd.s32 @!p1 $0x100000, s0  }
0x197: {  	[sflag:s0] =	ssyncadd.tile.s32 @!p1 $0x1;
	_ =	shalt  }
.Lfunc_end2:
_tile_overlayer_lowered:
.L_overlay_start_2:
0x198: {  	(tag) =	ssettag $0x2  }
0x199: {  	s0 =	rddreg [dreg:$0x0];
	s2 =	stileid.u32  }
0x19a: {  	s1 =	rddreg [dreg:$0x1];
	p0 =	sne.s32 s2, $0x0  }
0x19b: {  	s3 =	rddreg [dreg:$0x2];
	[bflag:$0x3] =	sbarrier.arrive $0xFFFF;
	s2 =	simm.s32 @!p0 $0x1C05  }
0x19c: {  	[timem:s3], [sflag:s2] =	dma.local @!p0 [hbm:s0], s1  }
0x19d: {  	s0 =	simm.s32 @!p0 $0x5  }
0x19e: {  	_ =	swait.ge @!p0 [sflag:s0], s1  }
0x19f: {  	s1 =	ssub.s32 @!p0 $0x0, s1;
	[sflag:s0] =	ssyncset.done @!p0 $0x0  }
0x1a0: {  	[sflag:s0] =	ssyncadd.s32 @!p0 s1  }
0x1a1: {  	[bflag:$0x3] =	sbarrier.arrive $0xFFFF  }
0x1a2: {  	_ =	shalt  }

</sc_bundles>
